<compile_context>
chip_gen: v7x
topology: tpu7x:2x2x1
jax: 0.10.2.dev20260603
libtpu: 0.0.44.dev20260713+nightly
codegen_flags: <defaults>
</compile_context>

<pallas_src>
import functools

import jax
import jax.numpy as jnp
from jax import lax
from jax.experimental import pallas as pl
from jax.experimental.pallas import tpu as pltpu
from jax.experimental.pallas import tpu_sc as plsc

N = 10000
D = 128
E = 320000
C = 128
NC = 2
NS = 16
NW = NC * NS
CHUNKS_TOTAL = -(-E // (C * NW))
E_PAD = CHUNKS_TOTAL * C * NW
PER_W = E_PAD // NW
CHUNKS = PER_W // C
N_PAD = 10240
RPT = N_PAD // NS


def _spmm_sc(h, sd3):
    mesh = plsc.VectorSubcoreMesh(core_axis_name="c", subcore_axis_name="s")

    @functools.partial(
        pl.kernel,
        out_type=jax.ShapeDtypeStruct((NC, N_PAD, D), jnp.float32),
        mesh=mesh,
        scratch_types=[
            pltpu.VMEM((4, C), jnp.int32),
            pltpu.VMEM((C, D), jnp.float32),
            pltpu.VMEM_SHARED((N_PAD, D), jnp.float32),
            pltpu.SemaphoreType.DMA,
        ],
    )
    def k(h_hbm, sd_hbm, out_hbm,
          sd_v, rows_v, accum, sem):
        cid = lax.axis_index("c")
        sid = lax.axis_index("s")
        wid = sid * NC + cid

        def zrow(r, _):
            for j in range(D // 16):
                rows_v[r, pl.ds(j * 16, 16)] = jnp.zeros((16,), jnp.float32)
            return 0
        lax.fori_loop(0, C, zrow, 0)
        base = sid * RPT
        for kblk in range(RPT // C):
            pltpu.sync_copy(rows_v, accum.at[pl.ds(base + kblk * C, C)])
        plsc.subcore_barrier()

        cb = wid * CHUNKS

        def chunk_body(ci, _):
            pltpu.sync_copy(sd_hbm.at[cb + ci], sd_v.at[pl.ds(0, 3)])
            pltpu.async_copy(h_hbm.at[sd_v.at[0]], rows_v, sem).wait()

            def row_body(r, _):
                ws = jax.lax.bitcast_convert_type(
                    sd_v[2, pl.ds(r, 16)], jnp.float32)[0]
                for j in range(D // 16):
                    sl = pl.ds(j * 16, 16)
                    rows_v[r, sl] = rows_v[r, sl] * ws
                return 0
            lax.fori_loop(0, C, row_body, 0)

            pltpu.sync_copy(rows_v, accum.at[sd_v.at[1]], add=True)
            return 0

        lax.fori_loop(0, CHUNKS, chunk_body, 0)
        plsc.subcore_barrier()

        pltpu.sync_copy(accum.at[pl.ds(base, RPT)],
                        out_hbm.at[cid, pl.ds(base, RPT)])

    return k(h, sd3)


R_BLK = 1000


def _fuse1(x, p0, p1, w0, w1):
    def body(x_b, p0_b, p1_b, w0_b, w1_b, h1_b, acc_b):
        h1 = p0_b[...] + p1_b[...]
        h1_b[...] = h1
        acc_b[...] = (
            jnp.dot(x_b[...], w0_b[...], preferred_element_type=jnp.float32)
            + jnp.dot(h1, w1_b[...], preferred_element_type=jnp.float32)
        )

    row_spec = pl.BlockSpec((R_BLK, D), lambda i: (i, 0))
    w_spec = pl.BlockSpec((D, D), lambda i: (0, 0))
    return pl.pallas_call(
        body,
        grid=(N // R_BLK,),
        in_specs=[row_spec, row_spec, row_spec, w_spec, w_spec],
        out_specs=[row_spec, row_spec],
        out_shape=[
            jax.ShapeDtypeStruct((N, D), jnp.float32),
            jax.ShapeDtypeStruct((N, D), jnp.float32),
        ],
    )(x, p0, p1, w0, w1)


def _fuse2(acc, q0, q1, w2, bias):
    def body(acc_b, q0_b, q1_b, w2_b, b_b, out_b):
        h2 = q0_b[...] + q1_b[...]
        out_b[...] = (
            acc_b[...]
            + jnp.dot(h2, w2_b[...], preferred_element_type=jnp.float32)
            + b_b[...]
        )

    row_spec = pl.BlockSpec((R_BLK, D), lambda i: (i, 0))
    w_spec = pl.BlockSpec((D, D), lambda i: (0, 0))
    b_spec = pl.BlockSpec((1, D), lambda i: (0, 0))
    return pl.pallas_call(
        body,
        grid=(N // R_BLK,),
        in_specs=[row_spec, row_spec, row_spec, w_spec, b_spec],
        out_specs=row_spec,
        out_shape=jax.ShapeDtypeStruct((N, D), jnp.float32),
    )(acc, q0, q1, w2, bias)


def kernel(x, edge_index, edge_weight, shared_weight, output_bias):
    src = edge_index[1].astype(jnp.int32)
    dst = edge_index[0].astype(jnp.int32)
    w = edge_weight.astype(jnp.float32)
    pad = E_PAD - E
    src = jnp.concatenate([src, jnp.zeros((pad,), jnp.int32)])
    dst = jnp.concatenate([dst, jnp.zeros((pad,), jnp.int32)])
    w = jnp.concatenate([w, jnp.zeros((pad,), jnp.float32)])
    wbits = jax.lax.bitcast_convert_type(w.reshape(-1, C), jnp.int32)
    sd3 = jnp.stack([src.reshape(-1, C), dst.reshape(-1, C), wbits], axis=1)

    w0 = shared_weight[:D]
    w1 = shared_weight[D:2 * D]
    w2 = shared_weight[2 * D:]
    bias = output_bias.reshape(1, D)

    p = _spmm_sc(x, sd3)
    h1, acc = _fuse1(x, p[0], p[1], w0, w1)
    q = _spmm_sc(h1, sd3)
    return _fuse2(acc, q[0], q[1], w2, bias)

# --- scband reference (transcript-rebuilt; emitter-appended) ---
"""Pipeline reference for scband-truncated-krylov-layer-75711683494114 (READ-ONLY COPY).

The authoritative reference and input builder live on the scoring server;
editing this copy changes nothing except your own understanding.
"""

import jax, jax.numpy as jnp
import numpy as np

N_NODES = 10000
N_EDGES = 320000
D_FEAT = 128
N_BLOCKS = 3
D_OUT = 128

def setup_inputs(seed: int = 0) -> dict:
    key = jax.random.key(seed)
    k1, k2, k3, k4, k5 = jax.random.split(key, 5)
    x = jax.random.normal(k1, (N_NODES, D_FEAT), dtype=jnp.float32)
    edge_index = jax.random.randint(k2, (2, N_EDGES), 0, N_NODES, dtype=jnp.int64)
    edge_weight = jax.random.uniform(k3, (N_EDGES,), dtype=jnp.float32)
    # learned params per init_kwargs (in_features*n_blocks, out_features), uniform as in reset_parameters
    stdv_w = 1.0 / np.sqrt(D_OUT)
    stdv_b = 1.0 / np.sqrt(D_OUT)
    shared_weight = jax.random.uniform(k4, (D_FEAT * N_BLOCKS, D_OUT), dtype=jnp.float32, minval=-stdv_w, maxval=stdv_w)
    output_bias = jax.random.uniform(k5, (D_OUT,), dtype=jnp.float32, minval=-stdv_b, maxval=stdv_b)
    return {"x": x, "edge_index": edge_index, "edge_weight": edge_weight, "shared_weight": shared_weight, "output_bias": output_bias}

def _spmm(edge_index, edge_weight, h, n_nodes):
    # sparse A (COO: row=dst, col=src, val=edge_weight) times dense h -> gather + scatter-add
    src = edge_index[1]
    dst = edge_index[0]
    msg = h[src] * edge_weight[:, None]
    return jax.ops.segment_sum(msg, dst, num_segments=n_nodes)

def reference(x, edge_index, edge_weight, shared_weight, output_bias):
    # truncated_krylov_layer.forward with eye=True
    # ADJ_EXPONENTIALS[i] = A^i (A^0 = I), so feature_output[i] = A^i @ x
    n = x.shape[0]
    feats = []
    h = x
    for i in range(N_BLOCKS):
        if i > 0:
            h = _spmm(edge_index, edge_weight, h, n)
        feats.append(h)
    output = jnp.concatenate(feats, axis=1) @ shared_weight
    return output + output_bias

if __name__ == "__main__":
    import jax
    _d = setup_inputs()
    print(jax.jit(kernel)(*tuple(_d.values())))

</pallas_src>

<mosaic_0001>
#map = affine_map<(d0, d1) -> (0, 0)>
#map1 = affine_map<(d0, d1) -> (0, 0, 0)>
module attributes {stable_mosaic.version = 14 : i64} {
  func.func @k(%arg0: i32, %arg1: i32, %arg2: memref<10000x128xf32, #tpu.memory_space<hbm>>, %arg3: memref<2528x3x128xi32, #tpu.memory_space<hbm>>, %arg4: memref<2x10240x128xf32, #tpu.memory_space<hbm>>, %arg5: memref<4x128xi32, #tpu.memory_space<vmem>>, %arg6: memref<128x128xf32, #tpu.memory_space<vmem>>, %arg7: memref<10240x128xf32, #tpu.memory_space<vmem_shared>>, %arg8: memref<!tpu.dma_semaphore, #tpu.memory_space<semaphore_mem>>) attributes {dimension_semantics = [#tpu.dimension_semantics<core_parallel>, #tpu.dimension_semantics<subcore_parallel>], iteration_bounds = array<i64: 2, 16>, scalar_prefetch = 0 : i64, scratch_operands = 4 : i64, tpu.core_type = #tpu.core_type<sc_vector_subcore>, window_params = [{transform_indices = #map}, {transform_indices = #map1}, {transform_indices = #map1}]} {
    %mul3A = arith.constant 2 : i32
    %mul3A_0 = arith.muli %arg1, %mul3A : i32
    %add3A = arith.addi %mul3A_0, %arg0 : i32
    %scan3A = arith.constant 0 : i32
    %scan3A_1 = arith.constant 0 : i32
    %scan3A_2 = arith.constant 128 : i32
    %scan3A_3 = arith.addi %scan3A_1, %scan3A_2 : i32
    %scan3A_4 = arith.constant 1 : i32
    %scan3A_5 = scf.for %scan3A_29 = %scan3A_1 to %scan3A_3 step %scan3A_4 iter_args(%scan3A_30 = %scan3A) -> (i32)  : i32 {
      %broadcast_in_dim3A = arith.constant 0.000000e+00 : f32
      %broadcast_in_dim3A_31 = vector.broadcast %broadcast_in_dim3A : f32 to vector<16xf32>
      %swap3A = arith.index_cast %scan3A_29 : i32 to index
      %swap3A_32 = arith.constant 0 : index
      %swap3A_33 = tpu.vector_load %arg6[%swap3A, %swap3A_32] {strides = array<i32>} : memref<128x128xf32, #tpu.memory_space<vmem>>, vector<1x16xf32>,
      %swap3A_34 = vector.shape_cast %swap3A_33 : vector<1x16xf32> to vector<16xf32>
      %swap3A_35 = vector.shape_cast %broadcast_in_dim3A_31 : vector<16xf32> to vector<1x16xf32>
      tpu.vector_store %arg6[%swap3A, %swap3A_32], %swap3A_35 {strides = array<i32>} : memref<128x128xf32, #tpu.memory_space<vmem>>, vector<1x16xf32>,
      %broadcast_in_dim3A_36 = arith.constant 0.000000e+00 : f32
      %broadcast_in_dim3A_37 = vector.broadcast %broadcast_in_dim3A_36 : f32 to vector<16xf32>
      %swap3A_38 = arith.index_cast %scan3A_29 : i32 to index
      %swap3A_39 = arith.constant 16 : index
      %swap3A_40 = tpu.vector_load %arg6[%swap3A_38, %swap3A_39] {strides = array<i32>} : memref<128x128xf32, #tpu.memory_space<vmem>>, vector<1x16xf32>,
      %swap3A_41 = vector.shape_cast %swap3A_40 : vector<1x16xf32> to vector<16xf32>
      %swap3A_42 = vector.shape_cast %broadcast_in_dim3A_37 : vector<16xf32> to vector<1x16xf32>
      tpu.vector_store %arg6[%swap3A_38, %swap3A_39], %swap3A_42 {strides = array<i32>} : memref<128x128xf32, #tpu.memory_space<vmem>>, vector<1x16xf32>,
      %broadcast_in_dim3A_43 = arith.constant 0.000000e+00 : f32
      %broadcast_in_dim3A_44 = vector.broadcast %broadcast_in_dim3A_43 : f32 to vector<16xf32>
      %swap3A_45 = arith.index_cast %scan3A_29 : i32 to index
      %swap3A_46 = arith.constant 32 : index
      %swap3A_47 = tpu.vector_load %arg6[%swap3A_45, %swap3A_46] {strides = array<i32>} : memref<128x128xf32, #tpu.memory_space<vmem>>, vector<1x16xf32>,
      %swap3A_48 = vector.shape_cast %swap3A_47 : vector<1x16xf32> to vector<16xf32>
      %swap3A_49 = vector.shape_cast %broadcast_in_dim3A_44 : vector<16xf32> to vector<1x16xf32>
      tpu.vector_store %arg6[%swap3A_45, %swap3A_46], %swap3A_49 {strides = array<i32>} : memref<128x128xf32, #tpu.memory_space<vmem>>, vector<1x16xf32>,
      %broadcast_in_dim3A_50 = arith.constant 0.000000e+00 : f32
      %broadcast_in_dim3A_51 = vector.broadcast %broadcast_in_dim3A_50 : f32 to vector<16xf32>
      %swap3A_52 = arith.index_cast %scan3A_29 : i32 to index
      %swap3A_53 = arith.constant 48 : index
      %swap3A_54 = tpu.vector_load %arg6[%swap3A_52, %swap3A_53] {strides = array<i32>} : memref<128x128xf32, #tpu.memory_space<vmem>>, vector<1x16xf32>,
      %swap3A_55 = vector.shape_cast %swap3A_54 : vector<1x16xf32> to vector<16xf32>
      %swap3A_56 = vector.shape_cast %broadcast_in_dim3A_51 : vector<16xf32> to vector<1x16xf32>
      tpu.vector_store %arg6[%swap3A_52, %swap3A_53], %swap3A_56 {strides = array<i32>} : memref<128x128xf32, #tpu.memory_space<vmem>>, vector<1x16xf32>,
      %broadcast_in_dim3A_57 = arith.constant 0.000000e+00 : f32
      %broadcast_in_dim3A_58 = vector.broadcast %broadcast_in_dim3A_57 : f32 to vector<16xf32>
      %swap3A_59 = arith.index_cast %scan3A_29 : i32 to index
      %swap3A_60 = arith.constant 64 : index
      %swap3A_61 = tpu.vector_load %arg6[%swap3A_59, %swap3A_60] {strides = array<i32>} : memref<128x128xf32, #tpu.memory_space<vmem>>, vector<1x16xf32>,
      %swap3A_62 = vector.shape_cast %swap3A_61 : vector<1x16xf32> to vector<16xf32>
      %swap3A_63 = vector.shape_cast %broadcast_in_dim3A_58 : vector<16xf32> to vector<1x16xf32>
      tpu.vector_store %arg6[%swap3A_59, %swap3A_60], %swap3A_63 {strides = array<i32>} : memref<128x128xf32, #tpu.memory_space<vmem>>, vector<1x16xf32>,
      %broadcast_in_dim3A_64 = arith.constant 0.000000e+00 : f32
      %broadcast_in_dim3A_65 = vector.broadcast %broadcast_in_dim3A_64 : f32 to vector<16xf32>
      %swap3A_66 = arith.index_cast %scan3A_29 : i32 to index
      %swap3A_67 = arith.constant 80 : index
      %swap3A_68 = tpu.vector_load %arg6[%swap3A_66, %swap3A_67] {strides = array<i32>} : memref<128x128xf32, #tpu.memory_space<vmem>>, vector<1x16xf32>,
      %swap3A_69 = vector.shape_cast %swap3A_68 : vector<1x16xf32> to vector<16xf32>
      %swap3A_70 = vector.shape_cast %broadcast_in_dim3A_65 : vector<16xf32> to vector<1x16xf32>
      tpu.vector_store %arg6[%swap3A_66, %swap3A_67], %swap3A_70 {strides = array<i32>} : memref<128x128xf32, #tpu.memory_space<vmem>>, vector<1x16xf32>,
      %broadcast_in_dim3A_71 = arith.constant 0.000000e+00 : f32
      %broadcast_in_dim3A_72 = vector.broadcast %broadcast_in_dim3A_71 : f32 to vector<16xf32>
      %swap3A_73 = arith.index_cast %scan3A_29 : i32 to index
      %swap3A_74 = arith.constant 96 : index
      %swap3A_75 = tpu.vector_load %arg6[%swap3A_73, %swap3A_74] {strides = array<i32>} : memref<128x128xf32, #tpu.memory_space<vmem>>, vector<1x16xf32>,
      %swap3A_76 = vector.shape_cast %swap3A_75 : vector<1x16xf32> to vector<16xf32>
      %swap3A_77 = vector.shape_cast %broadcast_in_dim3A_72 : vector<16xf32> to vector<1x16xf32>
      tpu.vector_store %arg6[%swap3A_73, %swap3A_74], %swap3A_77 {strides = array<i32>} : memref<128x128xf32, #tpu.memory_space<vmem>>, vector<1x16xf32>,
      %broadcast_in_dim3A_78 = arith.constant 0.000000e+00 : f32
      %broadcast_in_dim3A_79 = vector.broadcast %broadcast_in_dim3A_78 : f32 to vector<16xf32>
      %swap3A_80 = arith.index_cast %scan3A_29 : i32 to index
      %swap3A_81 = arith.constant 112 : index
      %swap3A_82 = tpu.vector_load %arg6[%swap3A_80, %swap3A_81] {strides = array<i32>} : memref<128x128xf32, #tpu.memory_space<vmem>>, vector<1x16xf32>,
      %swap3A_83 = vector.shape_cast %swap3A_82 : vector<1x16xf32> to vector<16xf32>
      %swap3A_84 = vector.shape_cast %broadcast_in_dim3A_79 : vector<16xf32> to vector<1x16xf32>
      tpu.vector_store %arg6[%swap3A_80, %swap3A_81], %swap3A_84 {strides = array<i32>} : memref<128x128xf32, #tpu.memory_space<vmem>>, vector<1x16xf32>,
      %scan3A_85 = arith.constant 0 : i32
      scf.yield %scan3A_85 : i32
    }
    %scan3A_6 = arith.constant 128 : i32
    %mul3A_7 = arith.constant 640 : i32
    %mul3A_8 = arith.muli %arg1, %mul3A_7 : i32
    %add3A_9 = arith.constant 0 : i32
    %add3A_10 = arith.addi %mul3A_8, %add3A_9 : i32
    "tpu.region"() ({
      %run_scoped3A = tpu.sem_alloc : memref<!tpu.dma_semaphore, #tpu.memory_space<semaphore_mem>>
      %dma_start3A = arith.constant 0 : i32
      %dma_start3A_29 = tpu.memref_slice %arg7[%add3A_10, %dma_start3A] : memref<10240x128xf32, #tpu.memory_space<vmem_shared>> -> memref<128x128xf32, #tpu.memory_space<vmem_shared>>
      %dma_start3A_30 = arith.constant 0 : i32
      %dma_start3A_31 = tpu.memref_slice %arg7[%add3A_10, %dma_start3A_30] : memref<10240x128xf32, #tpu.memory_space<vmem_shared>> -> memref<128x128xf32, #tpu.memory_space<vmem_shared>>
      tpu.enqueue_dma source(%arg6 : memref<128x128xf32, #tpu.memory_space<vmem>>) target(%dma_start3A_31 : memref<128x128xf32, #tpu.memory_space<vmem_shared>>) target_semaphore(%run_scoped3A : memref<!tpu.dma_semaphore, #tpu.memory_space<semaphore_mem>>)
      %dma_wait3A = arith.constant 0 : i32
      %dma_wait3A_32 = tpu.memref_slice %arg7[%add3A_10, %dma_wait3A] : memref<10240x128xf32, #tpu.memory_space<vmem_shared>> -> memref<128x128xf32, #tpu.memory_space<vmem_shared>>
      %dma_wait3A_33 = arith.constant 0 : i32
      %dma_wait3A_34 = tpu.memref_slice %arg7[%add3A_10, %dma_wait3A_33] : memref<10240x128xf32, #tpu.memory_space<vmem_shared>> -> memref<128x128xf32, #tpu.memory_space<vmem_shared>>
      tpu.wait_dma2 semaphore(%run_scoped3A : memref<!tpu.dma_semaphore, #tpu.memory_space<semaphore_mem>>) src(%arg6 : memref<128x128xf32, #tpu.memory_space<vmem>>) dst(%dma_wait3A_34 : memref<128x128xf32, #tpu.memory_space<vmem_shared>>)
      tpu.yield
    }) : () -> ()
    %add3A_11 = arith.constant 128 : i32
    %add3A_12 = arith.addi %mul3A_8, %add3A_11 : i32
    "tpu.region"() ({
      %run_scoped3A = tpu.sem_alloc : memref<!tpu.dma_semaphore, #tpu.memory_space<semaphore_mem>>
      %dma_start3A = arith.constant 0 : i32
      %dma_start3A_29 = tpu.memref_slice %arg7[%add3A_12, %dma_start3A] : memref<10240x128xf32, #tpu.memory_space<vmem_shared>> -> memref<128x128xf32, #tpu.memory_space<vmem_shared>>
      %dma_start3A_30 = arith.constant 0 : i32
      %dma_start3A_31 = tpu.memref_slice %arg7[%add3A_12, %dma_start3A_30] : memref<10240x128xf32, #tpu.memory_space<vmem_shared>> -> memref<128x128xf32, #tpu.memory_space<vmem_shared>>
      tpu.enqueue_dma source(%arg6 : memref<128x128xf32, #tpu.memory_space<vmem>>) target(%dma_start3A_31 : memref<128x128xf32, #tpu.memory_space<vmem_shared>>) target_semaphore(%run_scoped3A : memref<!tpu.dma_semaphore, #tpu.memory_space<semaphore_mem>>)
      %dma_wait3A = arith.constant 0 : i32
      %dma_wait3A_32 = tpu.memref_slice %arg7[%add3A_12, %dma_wait3A] : memref<10240x128xf32, #tpu.memory_space<vmem_shared>> -> memref<128x128xf32, #tpu.memory_space<vmem_shared>>
      %dma_wait3A_33 = arith.constant 0 : i32
      %dma_wait3A_34 = tpu.memref_slice %arg7[%add3A_12, %dma_wait3A_33] : memref<10240x128xf32, #tpu.memory_space<vmem_shared>> -> memref<128x128xf32, #tpu.memory_space<vmem_shared>>
      tpu.wait_dma2 semaphore(%run_scoped3A : memref<!tpu.dma_semaphore, #tpu.memory_space<semaphore_mem>>) src(%arg6 : memref<128x128xf32, #tpu.memory_space<vmem>>) dst(%dma_wait3A_34 : memref<128x128xf32, #tpu.memory_space<vmem_shared>>)
      tpu.yield
    }) : () -> ()
    %add3A_13 = arith.constant 256 : i32
    %add3A_14 = arith.addi %mul3A_8, %add3A_13 : i32
    "tpu.region"() ({
      %run_scoped3A = tpu.sem_alloc : memref<!tpu.dma_semaphore, #tpu.memory_space<semaphore_mem>>
      %dma_start3A = arith.constant 0 : i32
      %dma_start3A_29 = tpu.memref_slice %arg7[%add3A_14, %dma_start3A] : memref<10240x128xf32, #tpu.memory_space<vmem_shared>> -> memref<128x128xf32, #tpu.memory_space<vmem_shared>>
      %dma_start3A_30 = arith.constant 0 : i32
      %dma_start3A_31 = tpu.memref_slice %arg7[%add3A_14, %dma_start3A_30] : memref<10240x128xf32, #tpu.memory_space<vmem_shared>> -> memref<128x128xf32, #tpu.memory_space<vmem_shared>>
      tpu.enqueue_dma source(%arg6 : memref<128x128xf32, #tpu.memory_space<vmem>>) target(%dma_start3A_31 : memref<128x128xf32, #tpu.memory_space<vmem_shared>>) target_semaphore(%run_scoped3A : memref<!tpu.dma_semaphore, #tpu.memory_space<semaphore_mem>>)
      %dma_wait3A = arith.constant 0 : i32
      %dma_wait3A_32 = tpu.memref_slice %arg7[%add3A_14, %dma_wait3A] : memref<10240x128xf32, #tpu.memory_space<vmem_shared>> -> memref<128x128xf32, #tpu.memory_space<vmem_shared>>
      %dma_wait3A_33 = arith.constant 0 : i32
      %dma_wait3A_34 = tpu.memref_slice %arg7[%add3A_14, %dma_wait3A_33] : memref<10240x128xf32, #tpu.memory_space<vmem_shared>> -> memref<128x128xf32, #tpu.memory_space<vmem_shared>>
      tpu.wait_dma2 semaphore(%run_scoped3A : memref<!tpu.dma_semaphore, #tpu.memory_space<semaphore_mem>>) src(%arg6 : memref<128x128xf32, #tpu.memory_space<vmem>>) dst(%dma_wait3A_34 : memref<128x128xf32, #tpu.memory_space<vmem_shared>>)
      tpu.yield
    }) : () -> ()
    %add3A_15 = arith.constant 384 : i32
    %add3A_16 = arith.addi %mul3A_8, %add3A_15 : i32
    "tpu.region"() ({
      %run_scoped3A = tpu.sem_alloc : memref<!tpu.dma_semaphore, #tpu.memory_space<semaphore_mem>>
      %dma_start3A = arith.constant 0 : i32
      %dma_start3A_29 = tpu.memref_slice %arg7[%add3A_16, %dma_start3A] : memref<10240x128xf32, #tpu.memory_space<vmem_shared>> -> memref<128x128xf32, #tpu.memory_space<vmem_shared>>
      %dma_start3A_30 = arith.constant 0 : i32
      %dma_start3A_31 = tpu.memref_slice %arg7[%add3A_16, %dma_start3A_30] : memref<10240x128xf32, #tpu.memory_space<vmem_shared>> -> memref<128x128xf32, #tpu.memory_space<vmem_shared>>
      tpu.enqueue_dma source(%arg6 : memref<128x128xf32, #tpu.memory_space<vmem>>) target(%dma_start3A_31 : memref<128x128xf32, #tpu.memory_space<vmem_shared>>) target_semaphore(%run_scoped3A : memref<!tpu.dma_semaphore, #tpu.memory_space<semaphore_mem>>)
      %dma_wait3A = arith.constant 0 : i32
      %dma_wait3A_32 = tpu.memref_slice %arg7[%add3A_16, %dma_wait3A] : memref<10240x128xf32, #tpu.memory_space<vmem_shared>> -> memref<128x128xf32, #tpu.memory_space<vmem_shared>>
      %dma_wait3A_33 = arith.constant 0 : i32
      %dma_wait3A_34 = tpu.memref_slice %arg7[%add3A_16, %dma_wait3A_33] : memref<10240x128xf32, #tpu.memory_space<vmem_shared>> -> memref<128x128xf32, #tpu.memory_space<vmem_shared>>
      tpu.wait_dma2 semaphore(%run_scoped3A : memref<!tpu.dma_semaphore, #tpu.memory_space<semaphore_mem>>) src(%arg6 : memref<128x128xf32, #tpu.memory_space<vmem>>) dst(%dma_wait3A_34 : memref<128x128xf32, #tpu.memory_space<vmem_shared>>)
      tpu.yield
    }) : () -> ()
    %add3A_17 = arith.constant 512 : i32
    %add3A_18 = arith.addi %mul3A_8, %add3A_17 : i32
    "tpu.region"() ({
      %run_scoped3A = tpu.sem_alloc : memref<!tpu.dma_semaphore, #tpu.memory_space<semaphore_mem>>
      %dma_start3A = arith.constant 0 : i32
      %dma_start3A_29 = tpu.memref_slice %arg7[%add3A_18, %dma_start3A] : memref<10240x128xf32, #tpu.memory_space<vmem_shared>> -> memref<128x128xf32, #tpu.memory_space<vmem_shared>>
      %dma_start3A_30 = arith.constant 0 : i32
      %dma_start3A_31 = tpu.memref_slice %arg7[%add3A_18, %dma_start3A_30] : memref<10240x128xf32, #tpu.memory_space<vmem_shared>> -> memref<128x128xf32, #tpu.memory_space<vmem_shared>>
      tpu.enqueue_dma source(%arg6 : memref<128x128xf32, #tpu.memory_space<vmem>>) target(%dma_start3A_31 : memref<128x128xf32, #tpu.memory_space<vmem_shared>>) target_semaphore(%run_scoped3A : memref<!tpu.dma_semaphore, #tpu.memory_space<semaphore_mem>>)
      %dma_wait3A = arith.constant 0 : i32
      %dma_wait3A_32 = tpu.memref_slice %arg7[%add3A_18, %dma_wait3A] : memref<10240x128xf32, #tpu.memory_space<vmem_shared>> -> memref<128x128xf32, #tpu.memory_space<vmem_shared>>
      %dma_wait3A_33 = arith.constant 0 : i32
      %dma_wait3A_34 = tpu.memref_slice %arg7[%add3A_18, %dma_wait3A_33] : memref<10240x128xf32, #tpu.memory_space<vmem_shared>> -> memref<128x128xf32, #tpu.memory_space<vmem_shared>>
      tpu.wait_dma2 semaphore(%run_scoped3A : memref<!tpu.dma_semaphore, #tpu.memory_space<semaphore_mem>>) src(%arg6 : memref<128x128xf32, #tpu.memory_space<vmem>>) dst(%dma_wait3A_34 : memref<128x128xf32, #tpu.memory_space<vmem_shared>>)
      tpu.yield
    }) : () -> ()
    %barrier3A = arith.constant 0 : index
    tpu.barrier barrier_id(%barrier3A)
    %mul3A_19 = arith.constant 79 : i32
    %mul3A_20 = arith.muli %add3A, %mul3A_19 : i32
    %scan3A_21 = arith.constant 0 : i32
    %scan3A_22 = arith.constant 0 : i32
    %scan3A_23 = arith.constant 79 : i32
    %scan3A_24 = arith.addi %scan3A_22, %scan3A_23 : i32
    %scan3A_25 = arith.constant 1 : i32
    %scan3A_26 = scf.for %scan3A_29 = %scan3A_22 to %scan3A_24 step %scan3A_25 iter_args(%scan3A_30 = %scan3A_21) -> (i32)  : i32 {
      %add3A_31 = arith.addi %mul3A_20, %scan3A_29 : i32
      "tpu.region"() ({
        %run_scoped3A_52 = tpu.sem_alloc : memref<!tpu.dma_semaphore, #tpu.memory_space<semaphore_mem>>
        %dma_start3A_53 = arith.constant 0 : i32
        %dma_start3A_54 = arith.constant 0 : i32
        %dma_start3A_55 = tpu.memref_slice %arg5[%dma_start3A_53, %dma_start3A_54] : memref<4x128xi32, #tpu.memory_space<vmem>> -> memref<3x128xi32, #tpu.memory_space<vmem>>
        %dma_start3A_56 = arith.constant 0 : i32
        %dma_start3A_57 = arith.constant 0 : i32
        %dma_start3A_58 = tpu.memref_slice %arg3[%add3A_31, %dma_start3A_56, %dma_start3A_57] : memref<2528x3x128xi32, #tpu.memory_space<hbm>> -> memref<1x3x128xi32, #tpu.memory_space<hbm>>
        %dma_start3A_59 = tpu.memref_squeeze %dma_start3A_58 : memref<1x3x128xi32, #tpu.memory_space<hbm>> -> memref<3x128xi32, #tpu.memory_space<hbm>>
        %dma_start3A_60 = arith.constant 0 : i32
        %dma_start3A_61 = arith.constant 0 : i32
        %dma_start3A_62 = tpu.memref_slice %arg5[%dma_start3A_60, %dma_start3A_61] : memref<4x128xi32, #tpu.memory_space<vmem>> -> memref<3x128xi32, #tpu.memory_space<vmem>>
        %dma_start3A_63 = arith.constant 0 : i32
        %dma_start3A_64 = arith.constant 0 : i32
        %dma_start3A_65 = tpu.memref_slice %arg3[%add3A_31, %dma_start3A_63, %dma_start3A_64] : memref<2528x3x128xi32, #tpu.memory_space<hbm>> -> memref<1x3x128xi32, #tpu.memory_space<hbm>>
        %dma_start3A_66 = tpu.memref_squeeze %dma_start3A_65 : memref<1x3x128xi32, #tpu.memory_space<hbm>> -> memref<3x128xi32, #tpu.memory_space<hbm>>
        tpu.enqueue_dma source(%dma_start3A_66 : memref<3x128xi32, #tpu.memory_space<hbm>>) target(%dma_start3A_62 : memref<3x128xi32, #tpu.memory_space<vmem>>) target_semaphore(%run_scoped3A_52 : memref<!tpu.dma_semaphore, #tpu.memory_space<semaphore_mem>>)
        %dma_wait3A_67 = arith.constant 0 : i32
        %dma_wait3A_68 = arith.constant 0 : i32
        %dma_wait3A_69 = tpu.memref_slice %arg5[%dma_wait3A_67, %dma_wait3A_68] : memref<4x128xi32, #tpu.memory_space<vmem>> -> memref<3x128xi32, #tpu.memory_space<vmem>>
        %dma_wait3A_70 = arith.constant 0 : i32
        %dma_wait3A_71 = arith.constant 0 : i32
        %dma_wait3A_72 = tpu.memref_slice %arg3[%add3A_31, %dma_wait3A_70, %dma_wait3A_71] : memref<2528x3x128xi32, #tpu.memory_space<hbm>> -> memref<1x3x128xi32, #tpu.memory_space<hbm>>
        %dma_wait3A_73 = tpu.memref_squeeze %dma_wait3A_72 : memref<1x3x128xi32, #tpu.memory_space<hbm>> -> memref<3x128xi32, #tpu.memory_space<hbm>>
        %dma_wait3A_74 = arith.constant 0 : i32
        %dma_wait3A_75 = arith.constant 0 : i32
        %dma_wait3A_76 = tpu.memref_slice %arg5[%dma_wait3A_74, %dma_wait3A_75] : memref<4x128xi32, #tpu.memory_space<vmem>> -> memref<3x128xi32, #tpu.memory_space<vmem>>
        %dma_wait3A_77 = arith.constant 0 : i32
        %dma_wait3A_78 = arith.constant 0 : i32
        %dma_wait3A_79 = tpu.memref_slice %arg3[%add3A_31, %dma_wait3A_77, %dma_wait3A_78] : memref<2528x3x128xi32, #tpu.memory_space<hbm>> -> memref<1x3x128xi32, #tpu.memory_space<hbm>>
        %dma_wait3A_80 = tpu.memref_squeeze %dma_wait3A_79 : memref<1x3x128xi32, #tpu.memory_space<hbm>> -> memref<3x128xi32, #tpu.memory_space<hbm>>
        tpu.wait_dma2 semaphore(%run_scoped3A_52 : memref<!tpu.dma_semaphore, #tpu.memory_space<semaphore_mem>>) src(%dma_wait3A_80 : memref<3x128xi32, #tpu.memory_space<hbm>>) dst(%dma_wait3A_76 : memref<3x128xi32, #tpu.memory_space<vmem>>)
        tpu.yield
      }) : () -> ()
      %dma_start3A = arith.constant 0 : i32
      %dma_start3A_32 = arith.constant 0 : i32
      %dma_start3A_33 = tpu.memref_slice %arg5[%dma_start3A, %dma_start3A_32] : memref<4x128xi32, #tpu.memory_space<vmem>> -> memref<1x128xi32, #tpu.memory_space<vmem>>
      %dma_start3A_34 = tpu.memref_squeeze %dma_start3A_33 : memref<1x128xi32, #tpu.memory_space<vmem>> -> memref<128xi32, #tpu.memory_space<vmem>>
      %dma_start3A_35 = arith.constant 0 : i32
      %dma_start3A_36 = arith.constant 0 : i32
      %dma_start3A_37 = tpu.memref_slice %arg2[%dma_start3A_35, %dma_start3A_36] : memref<10000x128xf32, #tpu.memory_space<hbm>> -> memref<10000x128xf32, #tpu.memory_space<hbm>>
      tpu.enqueue_indirect_dma source(%dma_start3A_37 : memref<10000x128xf32, #tpu.memory_space<hbm>>) target(%arg6 : memref<128x128xf32, #tpu.memory_space<vmem>>) offsets(%dma_start3A_34 : memref<128xi32, #tpu.memory_space<vmem>>) semaphore(%arg8 : memref<!tpu.dma_semaphore, #tpu.memory_space<semaphore_mem>>)
      %dma_wait3A = arith.constant 0 : i32
      %dma_wait3A_38 = arith.constant 0 : i32
      %dma_wait3A_39 = tpu.memref_slice %arg5[%dma_wait3A, %dma_wait3A_38] : memref<4x128xi32, #tpu.memory_space<vmem>> -> memref<1x128xi32, #tpu.memory_space<vmem>>
      %dma_wait3A_40 = tpu.memref_squeeze %dma_wait3A_39 : memref<1x128xi32, #tpu.memory_space<vmem>> -> memref<128xi32, #tpu.memory_space<vmem>>
      %dma_wait3A_41 = arith.constant 0 : i32
      %dma_wait3A_42 = arith.constant 0 : i32
      %dma_wait3A_43 = tpu.memref_slice %arg2[%dma_wait3A_41, %dma_wait3A_42] : memref<10000x128xf32, #tpu.memory_space<hbm>> -> memref<10000x128xf32, #tpu.memory_space<hbm>>
      tpu.wait_indirect_dma semaphore(%arg8 : memref<!tpu.dma_semaphore, #tpu.memory_space<semaphore_mem>>) src(%dma_wait3A_43 : memref<10000x128xf32, #tpu.memory_space<hbm>>) dst(%arg6 : memref<128x128xf32, #tpu.memory_space<vmem>>)
      %scan3A_44 = arith.constant 0 : i32
      %scan3A_45 = arith.constant 0 : i32
      %scan3A_46 = arith.constant 128 : i32
      %scan3A_47 = arith.addi %scan3A_45, %scan3A_46 : i32
      %scan3A_48 = arith.constant 1 : i32
      %scan3A_49 = scf.for %scan3A_52 = %scan3A_45 to %scan3A_47 step %scan3A_48 iter_args(%scan3A_53 = %scan3A_44) -> (i32)  : i32 {
        %get3A = arith.constant 2 : i32
        %get3A_54 = arith.index_cast %get3A : i32 to index
        %get3A_55 = arith.index_cast %scan3A_52 : i32 to index
        %get3A_56 = tpu.vector_load %arg5[%get3A_54, %get3A_55] {strides = array<i32>} : memref<4x128xi32, #tpu.memory_space<vmem>>, vector<1x16xi32>,
        %get3A_57 = vector.shape_cast %get3A_56 : vector<1x16xi32> to vector<16xi32>
        %bitcast_convert_type3A = tpu.bitcast %get3A_57 : vector<16xi32> -> vector<16xf32>
        %slice3A = vector.extract_strided_slice %bitcast_convert_type3A {offsets = [0], sizes = [1], strides = [1]} : vector<16xf32> to vector<1xf32>
        %squeeze3A = vector.extract %slice3A[0] : f32 from vector<1xf32>
        %get3A_58 = arith.index_cast %scan3A_52 : i32 to index
        %get3A_59 = arith.constant 0 : index
        %get3A_60 = tpu.vector_load %arg6[%get3A_58, %get3A_59] {strides = array<i32>} : memref<128x128xf32, #tpu.memory_space<vmem>>, vector<1x16xf32>,
        %get3A_61 = vector.shape_cast %get3A_60 : vector<1x16xf32> to vector<16xf32>
        %mul3A_62 = vector.broadcast %squeeze3A : f32 to vector<16xf32>
        %mul3A_63 = arith.mulf %get3A_61, %mul3A_62 : vector<16xf32>
        %swap3A = arith.index_cast %scan3A_52 : i32 to index
        %swap3A_64 = arith.constant 0 : index
        %swap3A_65 = tpu.vector_load %arg6[%swap3A, %swap3A_64] {strides = array<i32>} : memref<128x128xf32, #tpu.memory_space<vmem>>, vector<1x16xf32>,
        %swap3A_66 = vector.shape_cast %swap3A_65 : vector<1x16xf32> to vector<16xf32>
        %swap3A_67 = vector.shape_cast %mul3A_63 : vector<16xf32> to vector<1x16xf32>
        tpu.vector_store %arg6[%swap3A, %swap3A_64], %swap3A_67 {strides = array<i32>} : memref<128x128xf32, #tpu.memory_space<vmem>>, vector<1x16xf32>,
        %get3A_68 = arith.index_cast %scan3A_52 : i32 to index
        %get3A_69 = arith.constant 16 : index
        %get3A_70 = tpu.vector_load %arg6[%get3A_68, %get3A_69] {strides = array<i32>} : memref<128x128xf32, #tpu.memory_space<vmem>>, vector<1x16xf32>,
        %get3A_71 = vector.shape_cast %get3A_70 : vector<1x16xf32> to vector<16xf32>
        %mul3A_72 = vector.broadcast %squeeze3A : f32 to vector<16xf32>
        %mul3A_73 = arith.mulf %get3A_71, %mul3A_72 : vector<16xf32>
        %swap3A_74 = arith.index_cast %scan3A_52 : i32 to index
        %swap3A_75 = arith.constant 16 : index
        %swap3A_76 = tpu.vector_load %arg6[%swap3A_74, %swap3A_75] {strides = array<i32>} : memref<128x128xf32, #tpu.memory_space<vmem>>, vector<1x16xf32>,
        %swap3A_77 = vector.shape_cast %swap3A_76 : vector<1x16xf32> to vector<16xf32>
        %swap3A_78 = vector.shape_cast %mul3A_73 : vector<16xf32> to vector<1x16xf32>
        tpu.vector_store %arg6[%swap3A_74, %swap3A_75], %swap3A_78 {strides = array<i32>} : memref<128x128xf32, #tpu.memory_space<vmem>>, vector<1x16xf32>,
        %get3A_79 = arith.index_cast %scan3A_52 : i32 to index
        %get3A_80 = arith.constant 32 : index
        %get3A_81 = tpu.vector_load %arg6[%get3A_79, %get3A_80] {strides = array<i32>} : memref<128x128xf32, #tpu.memory_space<vmem>>, vector<1x16xf32>,
        %get3A_82 = vector.shape_cast %get3A_81 : vector<1x16xf32> to vector<16xf32>
        %mul3A_83 = vector.broadcast %squeeze3A : f32 to vector<16xf32>
        %mul3A_84 = arith.mulf %get3A_82, %mul3A_83 : vector<16xf32>
        %swap3A_85 = arith.index_cast %scan3A_52 : i32 to index
        %swap3A_86 = arith.constant 32 : index
        %swap3A_87 = tpu.vector_load %arg6[%swap3A_85, %swap3A_86] {strides = array<i32>} : memref<128x128xf32, #tpu.memory_space<vmem>>, vector<1x16xf32>,
        %swap3A_88 = vector.shape_cast %swap3A_87 : vector<1x16xf32> to vector<16xf32>
        %swap3A_89 = vector.shape_cast %mul3A_84 : vector<16xf32> to vector<1x16xf32>
        tpu.vector_store %arg6[%swap3A_85, %swap3A_86], %swap3A_89 {strides = array<i32>} : memref<128x128xf32, #tpu.memory_space<vmem>>, vector<1x16xf32>,
        %get3A_90 = arith.index_cast %scan3A_52 : i32 to index
        %get3A_91 = arith.constant 48 : index
        %get3A_92 = tpu.vector_load %arg6[%get3A_90, %get3A_91] {strides = array<i32>} : memref<128x128xf32, #tpu.memory_space<vmem>>, vector<1x16xf32>,
        %get3A_93 = vector.shape_cast %get3A_92 : vector<1x16xf32> to vector<16xf32>
        %mul3A_94 = vector.broadcast %squeeze3A : f32 to vector<16xf32>
        %mul3A_95 = arith.mulf %get3A_93, %mul3A_94 : vector<16xf32>
        %swap3A_96 = arith.index_cast %scan3A_52 : i32 to index
        %swap3A_97 = arith.constant 48 : index
        %swap3A_98 = tpu.vector_load %arg6[%swap3A_96, %swap3A_97] {strides = array<i32>} : memref<128x128xf32, #tpu.memory_space<vmem>>, vector<1x16xf32>,
        %swap3A_99 = vector.shape_cast %swap3A_98 : vector<1x16xf32> to vector<16xf32>
        %swap3A_100 = vector.shape_cast %mul3A_95 : vector<16xf32> to vector<1x16xf32>
        tpu.vector_store %arg6[%swap3A_96, %swap3A_97], %swap3A_100 {strides = array<i32>} : memref<128x128xf32, #tpu.memory_space<vmem>>, vector<1x16xf32>,
        %get3A_101 = arith.index_cast %scan3A_52 : i32 to index
        %get3A_102 = arith.constant 64 : index
        %get3A_103 = tpu.vector_load %arg6[%get3A_101, %get3A_102] {strides = array<i32>} : memref<128x128xf32, #tpu.memory_space<vmem>>, vector<1x16xf32>,
        %get3A_104 = vector.shape_cast %get3A_103 : vector<1x16xf32> to vector<16xf32>
        %mul3A_105 = vector.broadcast %squeeze3A : f32 to vector<16xf32>
        %mul3A_106 = arith.mulf %get3A_104, %mul3A_105 : vector<16xf32>
        %swap3A_107 = arith.index_cast %scan3A_52 : i32 to index
        %swap3A_108 = arith.constant 64 : index
        %swap3A_109 = tpu.vector_load %arg6[%swap3A_107, %swap3A_108] {strides = array<i32>} : memref<128x128xf32, #tpu.memory_space<vmem>>, vector<1x16xf32>,
        %swap3A_110 = vector.shape_cast %swap3A_109 : vector<1x16xf32> to vector<16xf32>
        %swap3A_111 = vector.shape_cast %mul3A_106 : vector<16xf32> to vector<1x16xf32>
        tpu.vector_store %arg6[%swap3A_107, %swap3A_108], %swap3A_111 {strides = array<i32>} : memref<128x128xf32, #tpu.memory_space<vmem>>, vector<1x16xf32>,
        %get3A_112 = arith.index_cast %scan3A_52 : i32 to index
        %get3A_113 = arith.constant 80 : index
        %get3A_114 = tpu.vector_load %arg6[%get3A_112, %get3A_113] {strides = array<i32>} : memref<128x128xf32, #tpu.memory_space<vmem>>, vector<1x16xf32>,
        %get3A_115 = vector.shape_cast %get3A_114 : vector<1x16xf32> to vector<16xf32>
        %mul3A_116 = vector.broadcast %squeeze3A : f32 to vector<16xf32>
        %mul3A_117 = arith.mulf %get3A_115, %mul3A_116 : vector<16xf32>
        %swap3A_118 = arith.index_cast %scan3A_52 : i32 to index
        %swap3A_119 = arith.constant 80 : index
        %swap3A_120 = tpu.vector_load %arg6[%swap3A_118, %swap3A_119] {strides = array<i32>} : memref<128x128xf32, #tpu.memory_space<vmem>>, vector<1x16xf32>,
        %swap3A_121 = vector.shape_cast %swap3A_120 : vector<1x16xf32> to vector<16xf32>
        %swap3A_122 = vector.shape_cast %mul3A_117 : vector<16xf32> to vector<1x16xf32>
        tpu.vector_store %arg6[%swap3A_118, %swap3A_119], %swap3A_122 {strides = array<i32>} : memref<128x128xf32, #tpu.memory_space<vmem>>, vector<1x16xf32>,
        %get3A_123 = arith.index_cast %scan3A_52 : i32 to index
        %get3A_124 = arith.constant 96 : index
        %get3A_125 = tpu.vector_load %arg6[%get3A_123, %get3A_124] {strides = array<i32>} : memref<128x128xf32, #tpu.memory_space<vmem>>, vector<1x16xf32>,
        %get3A_126 = vector.shape_cast %get3A_125 : vector<1x16xf32> to vector<16xf32>
        %mul3A_127 = vector.broadcast %squeeze3A : f32 to vector<16xf32>
        %mul3A_128 = arith.mulf %get3A_126, %mul3A_127 : vector<16xf32>
        %swap3A_129 = arith.index_cast %scan3A_52 : i32 to index
        %swap3A_130 = arith.constant 96 : index
        %swap3A_131 = tpu.vector_load %arg6[%swap3A_129, %swap3A_130] {strides = array<i32>} : memref<128x128xf32, #tpu.memory_space<vmem>>, vector<1x16xf32>,
        %swap3A_132 = vector.shape_cast %swap3A_131 : vector<1x16xf32> to vector<16xf32>
        %swap3A_133 = vector.shape_cast %mul3A_128 : vector<16xf32> to vector<1x16xf32>
        tpu.vector_store %arg6[%swap3A_129, %swap3A_130], %swap3A_133 {strides = array<i32>} : memref<128x128xf32, #tpu.memory_space<vmem>>, vector<1x16xf32>,
        %get3A_134 = arith.index_cast %scan3A_52 : i32 to index
        %get3A_135 = arith.constant 112 : index
        %get3A_136 = tpu.vector_load %arg6[%get3A_134, %get3A_135] {strides = array<i32>} : memref<128x128xf32, #tpu.memory_space<vmem>>, vector<1x16xf32>,
        %get3A_137 = vector.shape_cast %get3A_136 : vector<1x16xf32> to vector<16xf32>
        %mul3A_138 = vector.broadcast %squeeze3A : f32 to vector<16xf32>
        %mul3A_139 = arith.mulf %get3A_137, %mul3A_138 : vector<16xf32>
        %swap3A_140 = arith.index_cast %scan3A_52 : i32 to index
        %swap3A_141 = arith.constant 112 : index
        %swap3A_142 = tpu.vector_load %arg6[%swap3A_140, %swap3A_141] {strides = array<i32>} : memref<128x128xf32, #tpu.memory_space<vmem>>, vector<1x16xf32>,
        %swap3A_143 = vector.shape_cast %swap3A_142 : vector<1x16xf32> to vector<16xf32>
        %swap3A_144 = vector.shape_cast %mul3A_139 : vector<16xf32> to vector<1x16xf32>
        tpu.vector_store %arg6[%swap3A_140, %swap3A_141], %swap3A_144 {strides = array<i32>} : memref<128x128xf32, #tpu.memory_space<vmem>>, vector<1x16xf32>,
        %scan3A_145 = arith.constant 0 : i32
        scf.yield %scan3A_145 : i32
      }
      %scan3A_50 = arith.constant 128 : i32
      %run_scoped3A = arith.constant 1 : i32
      "tpu.region"() ({
        %run_scoped3A_52 = tpu.sem_alloc : memref<!tpu.dma_semaphore, #tpu.memory_space<semaphore_mem>>
        %dma_start3A_53 = arith.constant 0 : i32
        %dma_start3A_54 = tpu.memref_slice %arg5[%run_scoped3A, %dma_start3A_53] : memref<4x128xi32, #tpu.memory_space<vmem>> -> memref<1x128xi32, #tpu.memory_space<vmem>>
        %dma_start3A_55 = tpu.memref_squeeze %dma_start3A_54 : memref<1x128xi32, #tpu.memory_space<vmem>> -> memref<128xi32, #tpu.memory_space<vmem>>
        %dma_start3A_56 = arith.constant 0 : i32
        %dma_start3A_57 = arith.constant 0 : i32
        %dma_start3A_58 = tpu.memref_slice %arg7[%dma_start3A_56, %dma_start3A_57] : memref<10240x128xf32, #tpu.memory_space<vmem_shared>> -> memref<10240x128xf32, #tpu.memory_space<vmem_shared>>
        tpu.enqueue_indirect_dma source(%arg6 : memref<128x128xf32, #tpu.memory_space<vmem>>) target(%dma_start3A_58 : memref<10240x128xf32, #tpu.memory_space<vmem_shared>>) offsets(%dma_start3A_55 : memref<128xi32, #tpu.memory_space<vmem>>) semaphore(%run_scoped3A_52 : memref<!tpu.dma_semaphore, #tpu.memory_space<semaphore_mem>>) {add = true}
        %dma_wait3A_59 = arith.constant 0 : i32
        %dma_wait3A_60 = tpu.memref_slice %arg5[%run_scoped3A, %dma_wait3A_59] : memref<4x128xi32, #tpu.memory_space<vmem>> -> memref<1x128xi32, #tpu.memory_space<vmem>>
        %dma_wait3A_61 = tpu.memref_squeeze %dma_wait3A_60 : memref<1x128xi32, #tpu.memory_space<vmem>> -> memref<128xi32, #tpu.memory_space<vmem>>
        %dma_wait3A_62 = arith.constant 0 : i32
        %dma_wait3A_63 = arith.constant 0 : i32
        %dma_wait3A_64 = tpu.memref_slice %arg7[%dma_wait3A_62, %dma_wait3A_63] : memref<10240x128xf32, #tpu.memory_space<vmem_shared>> -> memref<10240x128xf32, #tpu.memory_space<vmem_shared>>
        tpu.wait_indirect_dma semaphore(%run_scoped3A_52 : memref<!tpu.dma_semaphore, #tpu.memory_space<semaphore_mem>>) src(%arg6 : memref<128x128xf32, #tpu.memory_space<vmem>>) dst(%dma_wait3A_64 : memref<10240x128xf32, #tpu.memory_space<vmem_shared>>)
        tpu.yield
      }) : () -> ()
      %scan3A_51 = arith.constant 0 : i32
      scf.yield %scan3A_51 : i32
    }
    %scan3A_27 = arith.constant 79 : i32
    %barrier3A_28 = arith.constant 0 : index
    tpu.barrier barrier_id(%barrier3A_28)
    "tpu.region"() ({
      %run_scoped3A = tpu.sem_alloc : memref<!tpu.dma_semaphore, #tpu.memory_space<semaphore_mem>>
      %dma_start3A = arith.constant 0 : i32
      %dma_start3A_29 = tpu.memref_slice %arg4[%arg0, %mul3A_8, %dma_start3A] : memref<2x10240x128xf32, #tpu.memory_space<hbm>> -> memref<1x640x128xf32, #tpu.memory_space<hbm>>
      %dma_start3A_30 = tpu.memref_squeeze %dma_start3A_29 : memref<1x640x128xf32, #tpu.memory_space<hbm>> -> memref<640x128xf32, #tpu.memory_space<hbm>>
      %dma_start3A_31 = arith.constant 0 : i32
      %dma_start3A_32 = tpu.memref_slice %arg7[%mul3A_8, %dma_start3A_31] : memref<10240x128xf32, #tpu.memory_space<vmem_shared>> -> memref<640x128xf32, #tpu.memory_space<vmem_shared>>
      tpu.enqueue_dma source(%dma_start3A_32 : memref<640x128xf32, #tpu.memory_space<vmem_shared>>) target(%dma_start3A_30 : memref<640x128xf32, #tpu.memory_space<hbm>>) target_semaphore(%run_scoped3A : memref<!tpu.dma_semaphore, #tpu.memory_space<semaphore_mem>>)
      %dma_wait3A = arith.constant 0 : i32
      %dma_wait3A_33 = tpu.memref_slice %arg4[%arg0, %mul3A_8, %dma_wait3A] : memref<2x10240x128xf32, #tpu.memory_space<hbm>> -> memref<1x640x128xf32, #tpu.memory_space<hbm>>
      %dma_wait3A_34 = tpu.memref_squeeze %dma_wait3A_33 : memref<1x640x128xf32, #tpu.memory_space<hbm>> -> memref<640x128xf32, #tpu.memory_space<hbm>>
      %dma_wait3A_35 = arith.constant 0 : i32
      %dma_wait3A_36 = tpu.memref_slice %arg7[%mul3A_8, %dma_wait3A_35] : memref<10240x128xf32, #tpu.memory_space<vmem_shared>> -> memref<640x128xf32, #tpu.memory_space<vmem_shared>>
      tpu.wait_dma2 semaphore(%run_scoped3A : memref<!tpu.dma_semaphore, #tpu.memory_space<semaphore_mem>>) src(%dma_wait3A_36 : memref<640x128xf32, #tpu.memory_space<vmem_shared>>) dst(%dma_wait3A_34 : memref<640x128xf32, #tpu.memory_space<hbm>>)
      tpu.yield
    }) : () -> ()
    return
  }
}

#map = affine_map<(d0, d1) -> (0, 0)>
#map1 = affine_map<(d0, d1) -> (0, 0, 0)>
module attributes {stable_mosaic.version = 14 : i64} {
  func.func @k(%arg0: i32, %arg1: i32, %arg2: memref<10000x128xf32, #tpu.memory_space<hbm>>, %arg3: memref<2528x3x128xi32, #tpu.memory_space<hbm>>, %arg4: memref<2x10240x128xf32, #tpu.memory_space<hbm>>, %arg5: memref<4x128xi32, #tpu.memory_space<vmem>>, %arg6: memref<128x128xf32, #tpu.memory_space<vmem>>, %arg7: memref<10240x128xf32, #tpu.memory_space<vmem_shared>>, %arg8: memref<!tpu.dma_semaphore, #tpu.memory_space<semaphore_mem>>) attributes {dimension_semantics = [#tpu.dimension_semantics<core_parallel>, #tpu.dimension_semantics<subcore_parallel>], iteration_bounds = array<i64: 2, 16>, scalar_prefetch = 0 : i64, scratch_operands = 4 : i64, tpu.core_type = #tpu.core_type<sc_vector_subcore>, window_params = [{transform_indices = #map}, {transform_indices = #map1}, {transform_indices = #map1}]} {
    %mul3A = arith.constant 2 : i32
    %mul3A_0 = arith.muli %arg1, %mul3A : i32
    %add3A = arith.addi %mul3A_0, %arg0 : i32
    %scan3A = arith.constant 0 : i32
    %scan3A_1 = arith.constant 0 : i32
    %scan3A_2 = arith.constant 128 : i32
    %scan3A_3 = arith.addi %scan3A_1, %scan3A_2 : i32
    %scan3A_4 = arith.constant 1 : i32
    %scan3A_5 = scf.for %scan3A_29 = %scan3A_1 to %scan3A_3 step %scan3A_4 iter_args(%scan3A_30 = %scan3A) -> (i32)  : i32 {
      %broadcast_in_dim3A = arith.constant 0.000000e+00 : f32
      %broadcast_in_dim3A_31 = vector.broadcast %broadcast_in_dim3A : f32 to vector<16xf32>
      %swap3A = arith.index_cast %scan3A_29 : i32 to index
      %swap3A_32 = arith.constant 0 : index
      %swap3A_33 = tpu.vector_load %arg6[%swap3A, %swap3A_32] {strides = array<i32>} : memref<128x128xf32, #tpu.memory_space<vmem>>, vector<1x16xf32>,
      %swap3A_34 = vector.shape_cast %swap3A_33 : vector<1x16xf32> to vector<16xf32>
      %swap3A_35 = vector.shape_cast %broadcast_in_dim3A_31 : vector<16xf32> to vector<1x16xf32>
      tpu.vector_store %arg6[%swap3A, %swap3A_32], %swap3A_35 {strides = array<i32>} : memref<128x128xf32, #tpu.memory_space<vmem>>, vector<1x16xf32>,
      %broadcast_in_dim3A_36 = arith.constant 0.000000e+00 : f32
      %broadcast_in_dim3A_37 = vector.broadcast %broadcast_in_dim3A_36 : f32 to vector<16xf32>
      %swap3A_38 = arith.index_cast %scan3A_29 : i32 to index
      %swap3A_39 = arith.constant 16 : index
      %swap3A_40 = tpu.vector_load %arg6[%swap3A_38, %swap3A_39] {strides = array<i32>} : memref<128x128xf32, #tpu.memory_space<vmem>>, vector<1x16xf32>,
      %swap3A_41 = vector.shape_cast %swap3A_40 : vector<1x16xf32> to vector<16xf32>
      %swap3A_42 = vector.shape_cast %broadcast_in_dim3A_37 : vector<16xf32> to vector<1x16xf32>
      tpu.vector_store %arg6[%swap3A_38, %swap3A_39], %swap3A_42 {strides = array<i32>} : memref<128x128xf32, #tpu.memory_space<vmem>>, vector<1x16xf32>,
      %broadcast_in_dim3A_43 = arith.constant 0.000000e+00 : f32
      %broadcast_in_dim3A_44 = vector.broadcast %broadcast_in_dim3A_43 : f32 to vector<16xf32>
      %swap3A_45 = arith.index_cast %scan3A_29 : i32 to index
      %swap3A_46 = arith.constant 32 : index
      %swap3A_47 = tpu.vector_load %arg6[%swap3A_45, %swap3A_46] {strides = array<i32>} : memref<128x128xf32, #tpu.memory_space<vmem>>, vector<1x16xf32>,
      %swap3A_48 = vector.shape_cast %swap3A_47 : vector<1x16xf32> to vector<16xf32>
      %swap3A_49 = vector.shape_cast %broadcast_in_dim3A_44 : vector<16xf32> to vector<1x16xf32>
      tpu.vector_store %arg6[%swap3A_45, %swap3A_46], %swap3A_49 {strides = array<i32>} : memref<128x128xf32, #tpu.memory_space<vmem>>, vector<1x16xf32>,
      %broadcast_in_dim3A_50 = arith.constant 0.000000e+00 : f32
      %broadcast_in_dim3A_51 = vector.broadcast %broadcast_in_dim3A_50 : f32 to vector<16xf32>
      %swap3A_52 = arith.index_cast %scan3A_29 : i32 to index
      %swap3A_53 = arith.constant 48 : index
      %swap3A_54 = tpu.vector_load %arg6[%swap3A_52, %swap3A_53] {strides = array<i32>} : memref<128x128xf32, #tpu.memory_space<vmem>>, vector<1x16xf32>,
      %swap3A_55 = vector.shape_cast %swap3A_54 : vector<1x16xf32> to vector<16xf32>
      %swap3A_56 = vector.shape_cast %broadcast_in_dim3A_51 : vector<16xf32> to vector<1x16xf32>
      tpu.vector_store %arg6[%swap3A_52, %swap3A_53], %swap3A_56 {strides = array<i32>} : memref<128x128xf32, #tpu.memory_space<vmem>>, vector<1x16xf32>,
      %broadcast_in_dim3A_57 = arith.constant 0.000000e+00 : f32
      %broadcast_in_dim3A_58 = vector.broadcast %broadcast_in_dim3A_57 : f32 to vector<16xf32>
      %swap3A_59 = arith.index_cast %scan3A_29 : i32 to index
      %swap3A_60 = arith.constant 64 : index
      %swap3A_61 = tpu.vector_load %arg6[%swap3A_59, %swap3A_60] {strides = array<i32>} : memref<128x128xf32, #tpu.memory_space<vmem>>, vector<1x16xf32>,
      %swap3A_62 = vector.shape_cast %swap3A_61 : vector<1x16xf32> to vector<16xf32>
      %swap3A_63 = vector.shape_cast %broadcast_in_dim3A_58 : vector<16xf32> to vector<1x16xf32>
      tpu.vector_store %arg6[%swap3A_59, %swap3A_60], %swap3A_63 {strides = array<i32>} : memref<128x128xf32, #tpu.memory_space<vmem>>, vector<1x16xf32>,
      %broadcast_in_dim3A_64 = arith.constant 0.000000e+00 : f32
      %broadcast_in_dim3A_65 = vector.broadcast %broadcast_in_dim3A_64 : f32 to vector<16xf32>
      %swap3A_66 = arith.index_cast %scan3A_29 : i32 to index
      %swap3A_67 = arith.constant 80 : index
      %swap3A_68 = tpu.vector_load %arg6[%swap3A_66, %swap3A_67] {strides = array<i32>} : memref<128x128xf32, #tpu.memory_space<vmem>>, vector<1x16xf32>,
      %swap3A_69 = vector.shape_cast %swap3A_68 : vector<1x16xf32> to vector<16xf32>
      %swap3A_70 = vector.shape_cast %broadcast_in_dim3A_65 : vector<16xf32> to vector<1x16xf32>
      tpu.vector_store %arg6[%swap3A_66, %swap3A_67], %swap3A_70 {strides = array<i32>} : memref<128x128xf32, #tpu.memory_space<vmem>>, vector<1x16xf32>,
      %broadcast_in_dim3A_71 = arith.constant 0.000000e+00 : f32
      %broadcast_in_dim3A_72 = vector.broadcast %broadcast_in_dim3A_71 : f32 to vector<16xf32>
      %swap3A_73 = arith.index_cast %scan3A_29 : i32 to index
      %swap3A_74 = arith.constant 96 : index
      %swap3A_75 = tpu.vector_load %arg6[%swap3A_73, %swap3A_74] {strides = array<i32>} : memref<128x128xf32, #tpu.memory_space<vmem>>, vector<1x16xf32>,
      %swap3A_76 = vector.shape_cast %swap3A_75 : vector<1x16xf32> to vector<16xf32>
      %swap3A_77 = vector.shape_cast %broadcast_in_dim3A_72 : vector<16xf32> to vector<1x16xf32>
      tpu.vector_store %arg6[%swap3A_73, %swap3A_74], %swap3A_77 {strides = array<i32>} : memref<128x128xf32, #tpu.memory_space<vmem>>, vector<1x16xf32>,
      %broadcast_in_dim3A_78 = arith.constant 0.000000e+00 : f32
      %broadcast_in_dim3A_79 = vector.broadcast %broadcast_in_dim3A_78 : f32 to vector<16xf32>
      %swap3A_80 = arith.index_cast %scan3A_29 : i32 to index
      %swap3A_81 = arith.constant 112 : index
      %swap3A_82 = tpu.vector_load %arg6[%swap3A_80, %swap3A_81] {strides = array<i32>} : memref<128x128xf32, #tpu.memory_space<vmem>>, vector<1x16xf32>,
      %swap3A_83 = vector.shape_cast %swap3A_82 : vector<1x16xf32> to vector<16xf32>
      %swap3A_84 = vector.shape_cast %broadcast_in_dim3A_79 : vector<16xf32> to vector<1x16xf32>
      tpu.vector_store %arg6[%swap3A_80, %swap3A_81], %swap3A_84 {strides = array<i32>} : memref<128x128xf32, #tpu.memory_space<vmem>>, vector<1x16xf32>,
      %scan3A_85 = arith.constant 0 : i32
      scf.yield %scan3A_85 : i32
    }
    %scan3A_6 = arith.constant 128 : i32
    %mul3A_7 = arith.constant 640 : i32
    %mul3A_8 = arith.muli %arg1, %mul3A_7 : i32
    %add3A_9 = arith.constant 0 : i32
    %add3A_10 = arith.addi %mul3A_8, %add3A_9 : i32
    "tpu.region"() ({
      %run_scoped3A = tpu.sem_alloc : memref<!tpu.dma_semaphore, #tpu.memory_space<semaphore_mem>>
      %dma_start3A = arith.constant 0 : i32
      %dma_start3A_29 = tpu.memref_slice %arg7[%add3A_10, %dma_start3A] : memref<10240x128xf32, #tpu.memory_space<vmem_shared>> -> memref<128x128xf32, #tpu.memory_space<vmem_shared>>
      %dma_start3A_30 = arith.constant 0 : i32
      %dma_start3A_31 = tpu.memref_slice %arg7[%add3A_10, %dma_start3A_30] : memref<10240x128xf32, #tpu.memory_space<vmem_shared>> -> memref<128x128xf32, #tpu.memory_space<vmem_shared>>
      tpu.enqueue_dma source(%arg6 : memref<128x128xf32, #tpu.memory_space<vmem>>) target(%dma_start3A_31 : memref<128x128xf32, #tpu.memory_space<vmem_shared>>) target_semaphore(%run_scoped3A : memref<!tpu.dma_semaphore, #tpu.memory_space<semaphore_mem>>)
      %dma_wait3A = arith.constant 0 : i32
      %dma_wait3A_32 = tpu.memref_slice %arg7[%add3A_10, %dma_wait3A] : memref<10240x128xf32, #tpu.memory_space<vmem_shared>> -> memref<128x128xf32, #tpu.memory_space<vmem_shared>>
      %dma_wait3A_33 = arith.constant 0 : i32
      %dma_wait3A_34 = tpu.memref_slice %arg7[%add3A_10, %dma_wait3A_33] : memref<10240x128xf32, #tpu.memory_space<vmem_shared>> -> memref<128x128xf32, #tpu.memory_space<vmem_shared>>
      tpu.wait_dma2 semaphore(%run_scoped3A : memref<!tpu.dma_semaphore, #tpu.memory_space<semaphore_mem>>) src(%arg6 : memref<128x128xf32, #tpu.memory_space<vmem>>) dst(%dma_wait3A_34 : memref<128x128xf32, #tpu.memory_space<vmem_shared>>)
      tpu.yield
    }) : () -> ()
    %add3A_11 = arith.constant 128 : i32
    %add3A_12 = arith.addi %mul3A_8, %add3A_11 : i32
    "tpu.region"() ({
      %run_scoped3A = tpu.sem_alloc : memref<!tpu.dma_semaphore, #tpu.memory_space<semaphore_mem>>
      %dma_start3A = arith.constant 0 : i32
      %dma_start3A_29 = tpu.memref_slice %arg7[%add3A_12, %dma_start3A] : memref<10240x128xf32, #tpu.memory_space<vmem_shared>> -> memref<128x128xf32, #tpu.memory_space<vmem_shared>>
      %dma_start3A_30 = arith.constant 0 : i32
      %dma_start3A_31 = tpu.memref_slice %arg7[%add3A_12, %dma_start3A_30] : memref<10240x128xf32, #tpu.memory_space<vmem_shared>> -> memref<128x128xf32, #tpu.memory_space<vmem_shared>>
      tpu.enqueue_dma source(%arg6 : memref<128x128xf32, #tpu.memory_space<vmem>>) target(%dma_start3A_31 : memref<128x128xf32, #tpu.memory_space<vmem_shared>>) target_semaphore(%run_scoped3A : memref<!tpu.dma_semaphore, #tpu.memory_space<semaphore_mem>>)
      %dma_wait3A = arith.constant 0 : i32
      %dma_wait3A_32 = tpu.memref_slice %arg7[%add3A_12, %dma_wait3A] : memref<10240x128xf32, #tpu.memory_space<vmem_shared>> -> memref<128x128xf32, #tpu.memory_space<vmem_shared>>
      %dma_wait3A_33 = arith.constant 0 : i32
      %dma_wait3A_34 = tpu.memref_slice %arg7[%add3A_12, %dma_wait3A_33] : memref<10240x128xf32, #tpu.memory_space<vmem_shared>> -> memref<128x128xf32, #tpu.memory_space<vmem_shared>>
      tpu.wait_dma2 semaphore(%run_scoped3A : memref<!tpu.dma_semaphore, #tpu.memory_space<semaphore_mem>>) src(%arg6 : memref<128x128xf32, #tpu.memory_space<vmem>>) dst(%dma_wait3A_34 : memref<128x128xf32, #tpu.memory_space<vmem_shared>>)
      tpu.yield
    }) : () -> ()
    %add3A_13 = arith.constant 256 : i32
    %add3A_14 = arith.addi %mul3A_8, %add3A_13 : i32
    "tpu.region"() ({
      %run_scoped3A = tpu.sem_alloc : memref<!tpu.dma_semaphore, #tpu.memory_space<semaphore_mem>>
      %dma_start3A = arith.constant 0 : i32
      %dma_start3A_29 = tpu.memref_slice %arg7[%add3A_14, %dma_start3A] : memref<10240x128xf32, #tpu.memory_space<vmem_shared>> -> memref<128x128xf32, #tpu.memory_space<vmem_shared>>
      %dma_start3A_30 = arith.constant 0 : i32
      %dma_start3A_31 = tpu.memref_slice %arg7[%add3A_14, %dma_start3A_30] : memref<10240x128xf32, #tpu.memory_space<vmem_shared>> -> memref<128x128xf32, #tpu.memory_space<vmem_shared>>
      tpu.enqueue_dma source(%arg6 : memref<128x128xf32, #tpu.memory_space<vmem>>) target(%dma_start3A_31 : memref<128x128xf32, #tpu.memory_space<vmem_shared>>) target_semaphore(%run_scoped3A : memref<!tpu.dma_semaphore, #tpu.memory_space<semaphore_mem>>)
      %dma_wait3A = arith.constant 0 : i32
      %dma_wait3A_32 = tpu.memref_slice %arg7[%add3A_14, %dma_wait3A] : memref<10240x128xf32, #tpu.memory_space<vmem_shared>> -> memref<128x128xf32, #tpu.memory_space<vmem_shared>>
      %dma_wait3A_33 = arith.constant 0 : i32
      %dma_wait3A_34 = tpu.memref_slice %arg7[%add3A_14, %dma_wait3A_33] : memref<10240x128xf32, #tpu.memory_space<vmem_shared>> -> memref<128x128xf32, #tpu.memory_space<vmem_shared>>
      tpu.wait_dma2 semaphore(%run_scoped3A : memref<!tpu.dma_semaphore, #tpu.memory_space<semaphore_mem>>) src(%arg6 : memref<128x128xf32, #tpu.memory_space<vmem>>) dst(%dma_wait3A_34 : memref<128x128xf32, #tpu.memory_space<vmem_shared>>)
      tpu.yield
    }) : () -> ()
    %add3A_15 = arith.constant 384 : i32
    %add3A_16 = arith.addi %mul3A_8, %add3A_15 : i32
    "tpu.region"() ({
      %run_scoped3A = tpu.sem_alloc : memref<!tpu.dma_semaphore, #tpu.memory_space<semaphore_mem>>
      %dma_start3A = arith.constant 0 : i32
      %dma_start3A_29 = tpu.memref_slice %arg7[%add3A_16, %dma_start3A] : memref<10240x128xf32, #tpu.memory_space<vmem_shared>> -> memref<128x128xf32, #tpu.memory_space<vmem_shared>>
      %dma_start3A_30 = arith.constant 0 : i32
      %dma_start3A_31 = tpu.memref_slice %arg7[%add3A_16, %dma_start3A_30] : memref<10240x128xf32, #tpu.memory_space<vmem_shared>> -> memref<128x128xf32, #tpu.memory_space<vmem_shared>>
      tpu.enqueue_dma source(%arg6 : memref<128x128xf32, #tpu.memory_space<vmem>>) target(%dma_start3A_31 : memref<128x128xf32, #tpu.memory_space<vmem_shared>>) target_semaphore(%run_scoped3A : memref<!tpu.dma_semaphore, #tpu.memory_space<semaphore_mem>>)
      %dma_wait3A = arith.constant 0 : i32
      %dma_wait3A_32 = tpu.memref_slice %arg7[%add3A_16, %dma_wait3A] : memref<10240x128xf32, #tpu.memory_space<vmem_shared>> -> memref<128x128xf32, #tpu.memory_space<vmem_shared>>
      %dma_wait3A_33 = arith.constant 0 : i32
      %dma_wait3A_34 = tpu.memref_slice %arg7[%add3A_16, %dma_wait3A_33] : memref<10240x128xf32, #tpu.memory_space<vmem_shared>> -> memref<128x128xf32, #tpu.memory_space<vmem_shared>>
      tpu.wait_dma2 semaphore(%run_scoped3A : memref<!tpu.dma_semaphore, #tpu.memory_space<semaphore_mem>>) src(%arg6 : memref<128x128xf32, #tpu.memory_space<vmem>>) dst(%dma_wait3A_34 : memref<128x128xf32, #tpu.memory_space<vmem_shared>>)
      tpu.yield
    }) : () -> ()
    %add3A_17 = arith.constant 512 : i32
    %add3A_18 = arith.addi %mul3A_8, %add3A_17 : i32
    "tpu.region"() ({
      %run_scoped3A = tpu.sem_alloc : memref<!tpu.dma_semaphore, #tpu.memory_space<semaphore_mem>>
      %dma_start3A = arith.constant 0 : i32
      %dma_start3A_29 = tpu.memref_slice %arg7[%add3A_18, %dma_start3A] : memref<10240x128xf32, #tpu.memory_space<vmem_shared>> -> memref<128x128xf32, #tpu.memory_space<vmem_shared>>
      %dma_start3A_30 = arith.constant 0 : i32
      %dma_start3A_31 = tpu.memref_slice %arg7[%add3A_18, %dma_start3A_30] : memref<10240x128xf32, #tpu.memory_space<vmem_shared>> -> memref<128x128xf32, #tpu.memory_space<vmem_shared>>
      tpu.enqueue_dma source(%arg6 : memref<128x128xf32, #tpu.memory_space<vmem>>) target(%dma_start3A_31 : memref<128x128xf32, #tpu.memory_space<vmem_shared>>) target_semaphore(%run_scoped3A : memref<!tpu.dma_semaphore, #tpu.memory_space<semaphore_mem>>)
      %dma_wait3A = arith.constant 0 : i32
      %dma_wait3A_32 = tpu.memref_slice %arg7[%add3A_18, %dma_wait3A] : memref<10240x128xf32, #tpu.memory_space<vmem_shared>> -> memref<128x128xf32, #tpu.memory_space<vmem_shared>>
      %dma_wait3A_33 = arith.constant 0 : i32
      %dma_wait3A_34 = tpu.memref_slice %arg7[%add3A_18, %dma_wait3A_33] : memref<10240x128xf32, #tpu.memory_space<vmem_shared>> -> memref<128x128xf32, #tpu.memory_space<vmem_shared>>
      tpu.wait_dma2 semaphore(%run_scoped3A : memref<!tpu.dma_semaphore, #tpu.memory_space<semaphore_mem>>) src(%arg6 : memref<128x128xf32, #tpu.memory_space<vmem>>) dst(%dma_wait3A_34 : memref<128x128xf32, #tpu.memory_space<vmem_shared>>)
      tpu.yield
    }) : () -> ()
    %barrier3A = arith.constant 0 : index
    tpu.barrier barrier_id(%barrier3A)
    %mul3A_19 = arith.constant 79 : i32
    %mul3A_20 = arith.muli %add3A, %mul3A_19 : i32
    %scan3A_21 = arith.constant 0 : i32
    %scan3A_22 = arith.constant 0 : i32
    %scan3A_23 = arith.constant 79 : i32
    %scan3A_24 = arith.addi %scan3A_22, %scan3A_23 : i32
    %scan3A_25 = arith.constant 1 : i32
    %scan3A_26 = scf.for %scan3A_29 = %scan3A_22 to %scan3A_24 step %scan3A_25 iter_args(%scan3A_30 = %scan3A_21) -> (i32)  : i32 {
      %add3A_31 = arith.addi %mul3A_20, %scan3A_29 : i32
      "tpu.region"() ({
        %run_scoped3A_52 = tpu.sem_alloc : memref<!tpu.dma_semaphore, #tpu.memory_space<semaphore_mem>>
        %dma_start3A_53 = arith.constant 0 : i32
        %dma_start3A_54 = arith.constant 0 : i32
        %dma_start3A_55 = tpu.memref_slice %arg5[%dma_start3A_53, %dma_start3A_54] : memref<4x128xi32, #tpu.memory_space<vmem>> -> memref<3x128xi32, #tpu.memory_space<vmem>>
        %dma_start3A_56 = arith.constant 0 : i32
        %dma_start3A_57 = arith.constant 0 : i32
        %dma_start3A_58 = tpu.memref_slice %arg3[%add3A_31, %dma_start3A_56, %dma_start3A_57] : memref<2528x3x128xi32, #tpu.memory_space<hbm>> -> memref<1x3x128xi32, #tpu.memory_space<hbm>>
        %dma_start3A_59 = tpu.memref_squeeze %dma_start3A_58 : memref<1x3x128xi32, #tpu.memory_space<hbm>> -> memref<3x128xi32, #tpu.memory_space<hbm>>
        %dma_start3A_60 = arith.constant 0 : i32
        %dma_start3A_61 = arith.constant 0 : i32
        %dma_start3A_62 = tpu.memref_slice %arg5[%dma_start3A_60, %dma_start3A_61] : memref<4x128xi32, #tpu.memory_space<vmem>> -> memref<3x128xi32, #tpu.memory_space<vmem>>
        %dma_start3A_63 = arith.constant 0 : i32
        %dma_start3A_64 = arith.constant 0 : i32
        %dma_start3A_65 = tpu.memref_slice %arg3[%add3A_31, %dma_start3A_63, %dma_start3A_64] : memref<2528x3x128xi32, #tpu.memory_space<hbm>> -> memref<1x3x128xi32, #tpu.memory_space<hbm>>
        %dma_start3A_66 = tpu.memref_squeeze %dma_start3A_65 : memref<1x3x128xi32, #tpu.memory_space<hbm>> -> memref<3x128xi32, #tpu.memory_space<hbm>>
        tpu.enqueue_dma source(%dma_start3A_66 : memref<3x128xi32, #tpu.memory_space<hbm>>) target(%dma_start3A_62 : memref<3x128xi32, #tpu.memory_space<vmem>>) target_semaphore(%run_scoped3A_52 : memref<!tpu.dma_semaphore, #tpu.memory_space<semaphore_mem>>)
        %dma_wait3A_67 = arith.constant 0 : i32
        %dma_wait3A_68 = arith.constant 0 : i32
        %dma_wait3A_69 = tpu.memref_slice %arg5[%dma_wait3A_67, %dma_wait3A_68] : memref<4x128xi32, #tpu.memory_space<vmem>> -> memref<3x128xi32, #tpu.memory_space<vmem>>
        %dma_wait3A_70 = arith.constant 0 : i32
        %dma_wait3A_71 = arith.constant 0 : i32
        %dma_wait3A_72 = tpu.memref_slice %arg3[%add3A_31, %dma_wait3A_70, %dma_wait3A_71] : memref<2528x3x128xi32, #tpu.memory_space<hbm>> -> memref<1x3x128xi32, #tpu.memory_space<hbm>>
        %dma_wait3A_73 = tpu.memref_squeeze %dma_wait3A_72 : memref<1x3x128xi32, #tpu.memory_space<hbm>> -> memref<3x128xi32, #tpu.memory_space<hbm>>
        %dma_wait3A_74 = arith.constant 0 : i32
        %dma_wait3A_75 = arith.constant 0 : i32
        %dma_wait3A_76 = tpu.memref_slice %arg5[%dma_wait3A_74, %dma_wait3A_75] : memref<4x128xi32, #tpu.memory_space<vmem>> -> memref<3x128xi32, #tpu.memory_space<vmem>>
        %dma_wait3A_77 = arith.constant 0 : i32
        %dma_wait3A_78 = arith.constant 0 : i32
        %dma_wait3A_79 = tpu.memref_slice %arg3[%add3A_31, %dma_wait3A_77, %dma_wait3A_78] : memref<2528x3x128xi32, #tpu.memory_space<hbm>> -> memref<1x3x128xi32, #tpu.memory_space<hbm>>
        %dma_wait3A_80 = tpu.memref_squeeze %dma_wait3A_79 : memref<1x3x128xi32, #tpu.memory_space<hbm>> -> memref<3x128xi32, #tpu.memory_space<hbm>>
        tpu.wait_dma2 semaphore(%run_scoped3A_52 : memref<!tpu.dma_semaphore, #tpu.memory_space<semaphore_mem>>) src(%dma_wait3A_80 : memref<3x128xi32, #tpu.memory_space<hbm>>) dst(%dma_wait3A_76 : memref<3x128xi32, #tpu.memory_space<vmem>>)
        tpu.yield
      }) : () -> ()
      %dma_start3A = arith.constant 0 : i32
      %dma_start3A_32 = arith.constant 0 : i32
      %dma_start3A_33 = tpu.memref_slice %arg5[%dma_start3A, %dma_start3A_32] : memref<4x128xi32, #tpu.memory_space<vmem>> -> memref<1x128xi32, #tpu.memory_space<vmem>>
      %dma_start3A_34 = tpu.memref_squeeze %dma_start3A_33 : memref<1x128xi32, #tpu.memory_space<vmem>> -> memref<128xi32, #tpu.memory_space<vmem>>
      %dma_start3A_35 = arith.constant 0 : i32
      %dma_start3A_36 = arith.constant 0 : i32
      %dma_start3A_37 = tpu.memref_slice %arg2[%dma_start3A_35, %dma_start3A_36] : memref<10000x128xf32, #tpu.memory_space<hbm>> -> memref<10000x128xf32, #tpu.memory_space<hbm>>
      tpu.enqueue_indirect_dma source(%dma_start3A_37 : memref<10000x128xf32, #tpu.memory_space<hbm>>) target(%arg6 : memref<128x128xf32, #tpu.memory_space<vmem>>) offsets(%dma_start3A_34 : memref<128xi32, #tpu.memory_space<vmem>>) semaphore(%arg8 : memref<!tpu.dma_semaphore, #tpu.memory_space<semaphore_mem>>)
      %dma_wait3A = arith.constant 0 : i32
      %dma_wait3A_38 = arith.constant 0 : i32
      %dma_wait3A_39 = tpu.memref_slice %arg5[%dma_wait3A, %dma_wait3A_38] : memref<4x128xi32, #tpu.memory_space<vmem>> -> memref<1x128xi32, #tpu.memory_space<vmem>>
      %dma_wait3A_40 = tpu.memref_squeeze %dma_wait3A_39 : memref<1x128xi32, #tpu.memory_space<vmem>> -> memref<128xi32, #tpu.memory_space<vmem>>
      %dma_wait3A_41 = arith.constant 0 : i32
      %dma_wait3A_42 = arith.constant 0 : i32
      %dma_wait3A_43 = tpu.memref_slice %arg2[%dma_wait3A_41, %dma_wait3A_42] : memref<10000x128xf32, #tpu.memory_space<hbm>> -> memref<10000x128xf32, #tpu.memory_space<hbm>>
      tpu.wait_indirect_dma semaphore(%arg8 : memref<!tpu.dma_semaphore, #tpu.memory_space<semaphore_mem>>) src(%dma_wait3A_43 : memref<10000x128xf32, #tpu.memory_space<hbm>>) dst(%arg6 : memref<128x128xf32, #tpu.memory_space<vmem>>)
      %scan3A_44 = arith.constant 0 : i32
      %scan3A_45 = arith.constant 0 : i32
      %scan3A_46 = arith.constant 128 : i32
      %scan3A_47 = arith.addi %scan3A_45, %scan3A_46 : i32
      %scan3A_48 = arith.constant 1 : i32
      %scan3A_49 = scf.for %scan3A_52 = %scan3A_45 to %scan3A_47 step %scan3A_48 iter_args(%scan3A_53 = %scan3A_44) -> (i32)  : i32 {
        %get3A = arith.constant 2 : i32
        %get3A_54 = arith.index_cast %get3A : i32 to index
        %get3A_55 = arith.index_cast %scan3A_52 : i32 to index
        %get3A_56 = tpu.vector_load %arg5[%get3A_54, %get3A_55] {strides = array<i32>} : memref<4x128xi32, #tpu.memory_space<vmem>>, vector<1x16xi32>,
        %get3A_57 = vector.shape_cast %get3A_56 : vector<1x16xi32> to vector<16xi32>
        %bitcast_convert_type3A = tpu.bitcast %get3A_57 : vector<16xi32> -> vector<16xf32>
        %slice3A = vector.extract_strided_slice %bitcast_convert_type3A {offsets = [0], sizes = [1], strides = [1]} : vector<16xf32> to vector<1xf32>
        %squeeze3A = vector.extract %slice3A[0] : f32 from vector<1xf32>
        %get3A_58 = arith.index_cast %scan3A_52 : i32 to index
        %get3A_59 = arith.constant 0 : index
        %get3A_60 = tpu.vector_load %arg6[%get3A_58, %get3A_59] {strides = array<i32>} : memref<128x128xf32, #tpu.memory_space<vmem>>, vector<1x16xf32>,
        %get3A_61 = vector.shape_cast %get3A_60 : vector<1x16xf32> to vector<16xf32>
        %mul3A_62 = vector.broadcast %squeeze3A : f32 to vector<16xf32>
        %mul3A_63 = arith.mulf %get3A_61, %mul3A_62 : vector<16xf32>
        %swap3A = arith.index_cast %scan3A_52 : i32 to index
        %swap3A_64 = arith.constant 0 : index
        %swap3A_65 = tpu.vector_load %arg6[%swap3A, %swap3A_64] {strides = array<i32>} : memref<128x128xf32, #tpu.memory_space<vmem>>, vector<1x16xf32>,
        %swap3A_66 = vector.shape_cast %swap3A_65 : vector<1x16xf32> to vector<16xf32>
        %swap3A_67 = vector.shape_cast %mul3A_63 : vector<16xf32> to vector<1x16xf32>
        tpu.vector_store %arg6[%swap3A, %swap3A_64], %swap3A_67 {strides = array<i32>} : memref<128x128xf32, #tpu.memory_space<vmem>>, vector<1x16xf32>,
        %get3A_68 = arith.index_cast %scan3A_52 : i32 to index
        %get3A_69 = arith.constant 16 : index
        %get3A_70 = tpu.vector_load %arg6[%get3A_68, %get3A_69] {strides = array<i32>} : memref<128x128xf32, #tpu.memory_space<vmem>>, vector<1x16xf32>,
        %get3A_71 = vector.shape_cast %get3A_70 : vector<1x16xf32> to vector<16xf32>
        %mul3A_72 = vector.broadcast %squeeze3A : f32 to vector<16xf32>
        %mul3A_73 = arith.mulf %get3A_71, %mul3A_72 : vector<16xf32>
        %swap3A_74 = arith.index_cast %scan3A_52 : i32 to index
        %swap3A_75 = arith.constant 16 : index
        %swap3A_76 = tpu.vector_load %arg6[%swap3A_74, %swap3A_75] {strides = array<i32>} : memref<128x128xf32, #tpu.memory_space<vmem>>, vector<1x16xf32>,
        %swap3A_77 = vector.shape_cast %swap3A_76 : vector<1x16xf32> to vector<16xf32>
        %swap3A_78 = vector.shape_cast %mul3A_73 : vector<16xf32> to vector<1x16xf32>
        tpu.vector_store %arg6[%swap3A_74, %swap3A_75], %swap3A_78 {strides = array<i32>} : memref<128x128xf32, #tpu.memory_space<vmem>>, vector<1x16xf32>,
        %get3A_79 = arith.index_cast %scan3A_52 : i32 to index
        %get3A_80 = arith.constant 32 : index
        %get3A_81 = tpu.vector_load %arg6[%get3A_79, %get3A_80] {strides = array<i32>} : memref<128x128xf32, #tpu.memory_space<vmem>>, vector<1x16xf32>,
        %get3A_82 = vector.shape_cast %get3A_81 : vector<1x16xf32> to vector<16xf32>
        %mul3A_83 = vector.broadcast %squeeze3A : f32 to vector<16xf32>
        %mul3A_84 = arith.mulf %get3A_82, %mul3A_83 : vector<16xf32>
        %swap3A_85 = arith.index_cast %scan3A_52 : i32 to index
        %swap3A_86 = arith.constant 32 : index
        %swap3A_87 = tpu.vector_load %arg6[%swap3A_85, %swap3A_86] {strides = array<i32>} : memref<128x128xf32, #tpu.memory_space<vmem>>, vector<1x16xf32>,
        %swap3A_88 = vector.shape_cast %swap3A_87 : vector<1x16xf32> to vector<16xf32>
        %swap3A_89 = vector.shape_cast %mul3A_84 : vector<16xf32> to vector<1x16xf32>
        tpu.vector_store %arg6[%swap3A_85, %swap3A_86], %swap3A_89 {strides = array<i32>} : memref<128x128xf32, #tpu.memory_space<vmem>>, vector<1x16xf32>,
        %get3A_90 = arith.index_cast %scan3A_52 : i32 to index
        %get3A_91 = arith.constant 48 : index
        %get3A_92 = tpu.vector_load %arg6[%get3A_90, %get3A_91] {strides = array<i32>} : memref<128x128xf32, #tpu.memory_space<vmem>>, vector<1x16xf32>,
        %get3A_93 = vector.shape_cast %get3A_92 : vector<1x16xf32> to vector<16xf32>
        %mul3A_94 = vector.broadcast %squeeze3A : f32 to vector<16xf32>
        %mul3A_95 = arith.mulf %get3A_93, %mul3A_94 : vector<16xf32>
        %swap3A_96 = arith.index_cast %scan3A_52 : i32 to index
        %swap3A_97 = arith.constant 48 : index
        %swap3A_98 = tpu.vector_load %arg6[%swap3A_96, %swap3A_97] {strides = array<i32>} : memref<128x128xf32, #tpu.memory_space<vmem>>, vector<1x16xf32>,
        %swap3A_99 = vector.shape_cast %swap3A_98 : vector<1x16xf32> to vector<16xf32>
        %swap3A_100 = vector.shape_cast %mul3A_95 : vector<16xf32> to vector<1x16xf32>
        tpu.vector_store %arg6[%swap3A_96, %swap3A_97], %swap3A_100 {strides = array<i32>} : memref<128x128xf32, #tpu.memory_space<vmem>>, vector<1x16xf32>,
        %get3A_101 = arith.index_cast %scan3A_52 : i32 to index
        %get3A_102 = arith.constant 64 : index
        %get3A_103 = tpu.vector_load %arg6[%get3A_101, %get3A_102] {strides = array<i32>} : memref<128x128xf32, #tpu.memory_space<vmem>>, vector<1x16xf32>,
        %get3A_104 = vector.shape_cast %get3A_103 : vector<1x16xf32> to vector<16xf32>
        %mul3A_105 = vector.broadcast %squeeze3A : f32 to vector<16xf32>
        %mul3A_106 = arith.mulf %get3A_104, %mul3A_105 : vector<16xf32>
        %swap3A_107 = arith.index_cast %scan3A_52 : i32 to index
        %swap3A_108 = arith.constant 64 : index
        %swap3A_109 = tpu.vector_load %arg6[%swap3A_107, %swap3A_108] {strides = array<i32>} : memref<128x128xf32, #tpu.memory_space<vmem>>, vector<1x16xf32>,
        %swap3A_110 = vector.shape_cast %swap3A_109 : vector<1x16xf32> to vector<16xf32>
        %swap3A_111 = vector.shape_cast %mul3A_106 : vector<16xf32> to vector<1x16xf32>
        tpu.vector_store %arg6[%swap3A_107, %swap3A_108], %swap3A_111 {strides = array<i32>} : memref<128x128xf32, #tpu.memory_space<vmem>>, vector<1x16xf32>,
        %get3A_112 = arith.index_cast %scan3A_52 : i32 to index
        %get3A_113 = arith.constant 80 : index
        %get3A_114 = tpu.vector_load %arg6[%get3A_112, %get3A_113] {strides = array<i32>} : memref<128x128xf32, #tpu.memory_space<vmem>>, vector<1x16xf32>,
        %get3A_115 = vector.shape_cast %get3A_114 : vector<1x16xf32> to vector<16xf32>
        %mul3A_116 = vector.broadcast %squeeze3A : f32 to vector<16xf32>
        %mul3A_117 = arith.mulf %get3A_115, %mul3A_116 : vector<16xf32>
        %swap3A_118 = arith.index_cast %scan3A_52 : i32 to index
        %swap3A_119 = arith.constant 80 : index
        %swap3A_120 = tpu.vector_load %arg6[%swap3A_118, %swap3A_119] {strides = array<i32>} : memref<128x128xf32, #tpu.memory_space<vmem>>, vector<1x16xf32>,
        %swap3A_121 = vector.shape_cast %swap3A_120 : vector<1x16xf32> to vector<16xf32>
        %swap3A_122 = vector.shape_cast %mul3A_117 : vector<16xf32> to vector<1x16xf32>
        tpu.vector_store %arg6[%swap3A_118, %swap3A_119], %swap3A_122 {strides = array<i32>} : memref<128x128xf32, #tpu.memory_space<vmem>>, vector<1x16xf32>,
        %get3A_123 = arith.index_cast %scan3A_52 : i32 to index
        %get3A_124 = arith.constant 96 : index
        %get3A_125 = tpu.vector_load %arg6[%get3A_123, %get3A_124] {strides = array<i32>} : memref<128x128xf32, #tpu.memory_space<vmem>>, vector<1x16xf32>,
        %get3A_126 = vector.shape_cast %get3A_125 : vector<1x16xf32> to vector<16xf32>
        %mul3A_127 = vector.broadcast %squeeze3A : f32 to vector<16xf32>
        %mul3A_128 = arith.mulf %get3A_126, %mul3A_127 : vector<16xf32>
        %swap3A_129 = arith.index_cast %scan3A_52 : i32 to index
        %swap3A_130 = arith.constant 96 : index
        %swap3A_131 = tpu.vector_load %arg6[%swap3A_129, %swap3A_130] {strides = array<i32>} : memref<128x128xf32, #tpu.memory_space<vmem>>, vector<1x16xf32>,
        %swap3A_132 = vector.shape_cast %swap3A_131 : vector<1x16xf32> to vector<16xf32>
        %swap3A_133 = vector.shape_cast %mul3A_128 : vector<16xf32> to vector<1x16xf32>
        tpu.vector_store %arg6[%swap3A_129, %swap3A_130], %swap3A_133 {strides = array<i32>} : memref<128x128xf32, #tpu.memory_space<vmem>>, vector<1x16xf32>,
        %get3A_134 = arith.index_cast %scan3A_52 : i32 to index
        %get3A_135 = arith.constant 112 : index
        %get3A_136 = tpu.vector_load %arg6[%get3A_134, %get3A_135] {strides = array<i32>} : memref<128x128xf32, #tpu.memory_space<vmem>>, vector<1x16xf32>,
        %get3A_137 = vector.shape_cast %get3A_136 : vector<1x16xf32> to vector<16xf32>
        %mul3A_138 = vector.broadcast %squeeze3A : f32 to vector<16xf32>
        %mul3A_139 = arith.mulf %get3A_137, %mul3A_138 : vector<16xf32>
        %swap3A_140 = arith.index_cast %scan3A_52 : i32 to index
        %swap3A_141 = arith.constant 112 : index
        %swap3A_142 = tpu.vector_load %arg6[%swap3A_140, %swap3A_141] {strides = array<i32>} : memref<128x128xf32, #tpu.memory_space<vmem>>, vector<1x16xf32>,
        %swap3A_143 = vector.shape_cast %swap3A_142 : vector<1x16xf32> to vector<16xf32>
        %swap3A_144 = vector.shape_cast %mul3A_139 : vector<16xf32> to vector<1x16xf32>
        tpu.vector_store %arg6[%swap3A_140, %swap3A_141], %swap3A_144 {strides = array<i32>} : memref<128x128xf32, #tpu.memory_space<vmem>>, vector<1x16xf32>,
        %scan3A_145 = arith.constant 0 : i32
        scf.yield %scan3A_145 : i32
      }
      %scan3A_50 = arith.constant 128 : i32
      %run_scoped3A = arith.constant 1 : i32
      "tpu.region"() ({
        %run_scoped3A_52 = tpu.sem_alloc : memref<!tpu.dma_semaphore, #tpu.memory_space<semaphore_mem>>
        %dma_start3A_53 = arith.constant 0 : i32
        %dma_start3A_54 = tpu.memref_slice %arg5[%run_scoped3A, %dma_start3A_53] : memref<4x128xi32, #tpu.memory_space<vmem>> -> memref<1x128xi32, #tpu.memory_space<vmem>>
        %dma_start3A_55 = tpu.memref_squeeze %dma_start3A_54 : memref<1x128xi32, #tpu.memory_space<vmem>> -> memref<128xi32, #tpu.memory_space<vmem>>
        %dma_start3A_56 = arith.constant 0 : i32
        %dma_start3A_57 = arith.constant 0 : i32
        %dma_start3A_58 = tpu.memref_slice %arg7[%dma_start3A_56, %dma_start3A_57] : memref<10240x128xf32, #tpu.memory_space<vmem_shared>> -> memref<10240x128xf32, #tpu.memory_space<vmem_shared>>
        tpu.enqueue_indirect_dma source(%arg6 : memref<128x128xf32, #tpu.memory_space<vmem>>) target(%dma_start3A_58 : memref<10240x128xf32, #tpu.memory_space<vmem_shared>>) offsets(%dma_start3A_55 : memref<128xi32, #tpu.memory_space<vmem>>) semaphore(%run_scoped3A_52 : memref<!tpu.dma_semaphore, #tpu.memory_space<semaphore_mem>>) {add = true}
        %dma_wait3A_59 = arith.constant 0 : i32
        %dma_wait3A_60 = tpu.memref_slice %arg5[%run_scoped3A, %dma_wait3A_59] : memref<4x128xi32, #tpu.memory_space<vmem>> -> memref<1x128xi32, #tpu.memory_space<vmem>>
        %dma_wait3A_61 = tpu.memref_squeeze %dma_wait3A_60 : memref<1x128xi32, #tpu.memory_space<vmem>> -> memref<128xi32, #tpu.memory_space<vmem>>
        %dma_wait3A_62 = arith.constant 0 : i32
        %dma_wait3A_63 = arith.constant 0 : i32
        %dma_wait3A_64 = tpu.memref_slice %arg7[%dma_wait3A_62, %dma_wait3A_63] : memref<10240x128xf32, #tpu.memory_space<vmem_shared>> -> memref<10240x128xf32, #tpu.memory_space<vmem_shared>>
        tpu.wait_indirect_dma semaphore(%run_scoped3A_52 : memref<!tpu.dma_semaphore, #tpu.memory_space<semaphore_mem>>) src(%arg6 : memref<128x128xf32, #tpu.memory_space<vmem>>) dst(%dma_wait3A_64 : memref<10240x128xf32, #tpu.memory_space<vmem_shared>>)
        tpu.yield
      }) : () -> ()
      %scan3A_51 = arith.constant 0 : i32
      scf.yield %scan3A_51 : i32
    }
    %scan3A_27 = arith.constant 79 : i32
    %barrier3A_28 = arith.constant 0 : index
    tpu.barrier barrier_id(%barrier3A_28)
    "tpu.region"() ({
      %run_scoped3A = tpu.sem_alloc : memref<!tpu.dma_semaphore, #tpu.memory_space<semaphore_mem>>
      %dma_start3A = arith.constant 0 : i32
      %dma_start3A_29 = tpu.memref_slice %arg4[%arg0, %mul3A_8, %dma_start3A] : memref<2x10240x128xf32, #tpu.memory_space<hbm>> -> memref<1x640x128xf32, #tpu.memory_space<hbm>>
      %dma_start3A_30 = tpu.memref_squeeze %dma_start3A_29 : memref<1x640x128xf32, #tpu.memory_space<hbm>> -> memref<640x128xf32, #tpu.memory_space<hbm>>
      %dma_start3A_31 = arith.constant 0 : i32
      %dma_start3A_32 = tpu.memref_slice %arg7[%mul3A_8, %dma_start3A_31] : memref<10240x128xf32, #tpu.memory_space<vmem_shared>> -> memref<640x128xf32, #tpu.memory_space<vmem_shared>>
      tpu.enqueue_dma source(%dma_start3A_32 : memref<640x128xf32, #tpu.memory_space<vmem_shared>>) target(%dma_start3A_30 : memref<640x128xf32, #tpu.memory_space<hbm>>) target_semaphore(%run_scoped3A : memref<!tpu.dma_semaphore, #tpu.memory_space<semaphore_mem>>)
      %dma_wait3A = arith.constant 0 : i32
      %dma_wait3A_33 = tpu.memref_slice %arg4[%arg0, %mul3A_8, %dma_wait3A] : memref<2x10240x128xf32, #tpu.memory_space<hbm>> -> memref<1x640x128xf32, #tpu.memory_space<hbm>>
      %dma_wait3A_34 = tpu.memref_squeeze %dma_wait3A_33 : memref<1x640x128xf32, #tpu.memory_space<hbm>> -> memref<640x128xf32, #tpu.memory_space<hbm>>
      %dma_wait3A_35 = arith.constant 0 : i32
      %dma_wait3A_36 = tpu.memref_slice %arg7[%mul3A_8, %dma_wait3A_35] : memref<10240x128xf32, #tpu.memory_space<vmem_shared>> -> memref<640x128xf32, #tpu.memory_space<vmem_shared>>
      tpu.wait_dma2 semaphore(%run_scoped3A : memref<!tpu.dma_semaphore, #tpu.memory_space<semaphore_mem>>) src(%dma_wait3A_36 : memref<640x128xf32, #tpu.memory_space<vmem_shared>>) dst(%dma_wait3A_34 : memref<640x128xf32, #tpu.memory_space<hbm>>)
      tpu.yield
    }) : () -> ()
    return
  }
}

module attributes {stable_mosaic.version = 14 : i64} {
  func.func @body(%arg0: i32, %arg1: memref<1000x128xf32, #tpu.memory_space<vmem>>, %arg2: memref<1000x128xf32, #tpu.memory_space<vmem>>, %arg3: memref<1000x128xf32, #tpu.memory_space<vmem>>, %arg4: memref<128x128xf32, #tpu.memory_space<vmem>>, %arg5: memref<128x128xf32, #tpu.memory_space<vmem>>, %arg6: memref<1000x128xf32, #tpu.memory_space<vmem>>, %arg7: memref<1000x128xf32, #tpu.memory_space<vmem>>) attributes {dimension_semantics = [#tpu.dimension_semantics<arbitrary>], iteration_bounds = array<i64: 10>, scalar_prefetch = 0 : i64, scratch_operands = 0 : i64, tpu.core_type = #tpu.core_type<tc>, window_params = [{transform_indices = @transform_0, window_bounds = array<i64: 1000, 128>}, {transform_indices = @transform_1, window_bounds = array<i64: 1000, 128>}, {transform_indices = @transform_2, window_bounds = array<i64: 1000, 128>}, {pipeline_mode = #tpu.pipeline_mode<synchronous>, transform_indices = @transform_3, window_bounds = array<i64: 128, 128>}, {pipeline_mode = #tpu.pipeline_mode<synchronous>, transform_indices = @transform_4, window_bounds = array<i64: 128, 128>}, {transform_indices = @transform_5, window_bounds = array<i64: 1000, 128>}, {transform_indices = @transform_6, window_bounds = array<i64: 1000, 128>}]} {
    %get3A = arith.constant 0 : index
    %get3A_0 = arith.constant 0 : index
    %get3A_1 = vector.load %arg2[%get3A, %get3A_0] : memref<1000x128xf32, #tpu.memory_space<vmem>>, vector<1000x128xf32>
    %get3A_2 = arith.constant 0 : index
    %get3A_3 = arith.constant 0 : index
    %get3A_4 = vector.load %arg3[%get3A_2, %get3A_3] : memref<1000x128xf32, #tpu.memory_space<vmem>>, vector<1000x128xf32>
    %add3A = arith.addf %get3A_1, %get3A_4 : vector<1000x128xf32>
    %swap3A = arith.constant 0 : index
    %swap3A_5 = arith.constant 0 : index
    %swap3A_6 = vector.load %arg6[%swap3A, %swap3A_5] : memref<1000x128xf32, #tpu.memory_space<vmem>>, vector<1000x128xf32>
    tpu.vector_store %arg6[%swap3A, %swap3A_5], %add3A {strides = array<i32>} : memref<1000x128xf32, #tpu.memory_space<vmem>>, vector<1000x128xf32>,
    %get3A_7 = arith.constant 0 : index
    %get3A_8 = arith.constant 0 : index
    %get3A_9 = vector.load %arg1[%get3A_7, %get3A_8] : memref<1000x128xf32, #tpu.memory_space<vmem>>, vector<1000x128xf32>
    %get3A_10 = arith.constant 0 : index
    %get3A_11 = arith.constant 0 : index
    %get3A_12 = vector.load %arg4[%get3A_10, %get3A_11] : memref<128x128xf32, #tpu.memory_space<vmem>>, vector<128x128xf32>
    %dot_general3A = arith.constant dense<0.000000e+00> : vector<1000x128xf32>
    %dot_general3A_13 = tpu.matmul %get3A_9, %get3A_12, %dot_general3A {dimension_numbers = #tpu.dot_dimension_numbers<[1], [0], [0], [1], [0, 0, 1, 1], [], []>, transpose_lhs_hint = false} : vector<1000x128xf32>, vector<128x128xf32>, vector<1000x128xf32> -> vector<1000x128xf32>
    %get3A_14 = arith.constant 0 : index
    %get3A_15 = arith.constant 0 : index
    %get3A_16 = vector.load %arg5[%get3A_14, %get3A_15] : memref<128x128xf32, #tpu.memory_space<vmem>>, vector<128x128xf32>
    %dot_general3A_17 = arith.constant dense<0.000000e+00> : vector<1000x128xf32>
    %dot_general3A_18 = tpu.matmul %add3A, %get3A_16, %dot_general3A_17 {dimension_numbers = #tpu.dot_dimension_numbers<[1], [0], [0], [1], [0, 0, 1, 1], [], []>, transpose_lhs_hint = false} : vector<1000x128xf32>, vector<128x128xf32>, vector<1000x128xf32> -> vector<1000x128xf32>
    %add3A_19 = arith.addf %dot_general3A_13, %dot_general3A_18 : vector<1000x128xf32>
    %swap3A_20 = arith.constant 0 : index
    %swap3A_21 = arith.constant 0 : index
    %swap3A_22 = vector.load %arg7[%swap3A_20, %swap3A_21] : memref<1000x128xf32, #tpu.memory_space<vmem>>, vector<1000x128xf32>
    tpu.vector_store %arg7[%swap3A_20, %swap3A_21], %add3A_19 {strides = array<i32>} : memref<1000x128xf32, #tpu.memory_space<vmem>>, vector<1000x128xf32>,
    return
  }
  func.func @transform_0(%arg0: i32) -> (i32, i32) {
    %c0_i32 = arith.constant 0 : i32
    %c0_i32_0 = arith.constant 0 : i32
    return %arg0, %c0_i32 : i32, i32
  }
  func.func @transform_1(%arg0: i32) -> (i32, i32) {
    %c0_i32 = arith.constant 0 : i32
    %c0_i32_0 = arith.constant 0 : i32
    return %arg0, %c0_i32 : i32, i32
  }
  func.func @transform_2(%arg0: i32) -> (i32, i32) {
    %c0_i32 = arith.constant 0 : i32
    %c0_i32_0 = arith.constant 0 : i32
    return %arg0, %c0_i32 : i32, i32
  }
  func.func @transform_3(%arg0: i32) -> (i32, i32) {
    %c0_i32 = arith.constant 0 : i32
    %c0_i32_0 = arith.constant 0 : i32
    %c0_i32_1 = arith.constant 0 : i32
    return %c0_i32, %c0_i32_0 : i32, i32
  }
  func.func @transform_4(%arg0: i32) -> (i32, i32) {
    %c0_i32 = arith.constant 0 : i32
    %c0_i32_0 = arith.constant 0 : i32
    %c0_i32_1 = arith.constant 0 : i32
    return %c0_i32, %c0_i32_0 : i32, i32
  }
  func.func @transform_5(%arg0: i32) -> (i32, i32) {
    %c0_i32 = arith.constant 0 : i32
    %c0_i32_0 = arith.constant 0 : i32
    return %arg0, %c0_i32 : i32, i32
  }
  func.func @transform_6(%arg0: i32) -> (i32, i32) {
    %c0_i32 = arith.constant 0 : i32
    %c0_i32_0 = arith.constant 0 : i32
    return %arg0, %c0_i32 : i32, i32
  }
}

module attributes {stable_mosaic.version = 14 : i64} {
  func.func @body(%arg0: i32, %arg1: memref<1000x128xf32, #tpu.memory_space<vmem>>, %arg2: memref<1000x128xf32, #tpu.memory_space<vmem>>, %arg3: memref<1000x128xf32, #tpu.memory_space<vmem>>, %arg4: memref<128x128xf32, #tpu.memory_space<vmem>>, %arg5: memref<1x128xf32, #tpu.memory_space<vmem>>, %arg6: memref<1000x128xf32, #tpu.memory_space<vmem>>) attributes {dimension_semantics = [#tpu.dimension_semantics<arbitrary>], iteration_bounds = array<i64: 10>, scalar_prefetch = 0 : i64, scratch_operands = 0 : i64, tpu.core_type = #tpu.core_type<tc>, window_params = [{transform_indices = @transform_0, window_bounds = array<i64: 1000, 128>}, {transform_indices = @transform_1, window_bounds = array<i64: 1000, 128>}, {transform_indices = @transform_2, window_bounds = array<i64: 1000, 128>}, {pipeline_mode = #tpu.pipeline_mode<synchronous>, transform_indices = @transform_3, window_bounds = array<i64: 128, 128>}, {pipeline_mode = #tpu.pipeline_mode<synchronous>, transform_indices = @transform_4, window_bounds = array<i64: 1, 128>}, {transform_indices = @transform_5, window_bounds = array<i64: 1000, 128>}]} {
    %get3A = arith.constant 0 : index
    %get3A_0 = arith.constant 0 : index
    %get3A_1 = vector.load %arg2[%get3A, %get3A_0] : memref<1000x128xf32, #tpu.memory_space<vmem>>, vector<1000x128xf32>
    %get3A_2 = arith.constant 0 : index
    %get3A_3 = arith.constant 0 : index
    %get3A_4 = vector.load %arg3[%get3A_2, %get3A_3] : memref<1000x128xf32, #tpu.memory_space<vmem>>, vector<1000x128xf32>
    %add3A = arith.addf %get3A_1, %get3A_4 : vector<1000x128xf32>
    %get3A_5 = arith.constant 0 : index
    %get3A_6 = arith.constant 0 : index
    %get3A_7 = vector.load %arg1[%get3A_5, %get3A_6] : memref<1000x128xf32, #tpu.memory_space<vmem>>, vector<1000x128xf32>
    %get3A_8 = arith.constant 0 : index
    %get3A_9 = arith.constant 0 : index
    %get3A_10 = vector.load %arg4[%get3A_8, %get3A_9] : memref<128x128xf32, #tpu.memory_space<vmem>>, vector<128x128xf32>
    %dot_general3A = arith.constant dense<0.000000e+00> : vector<1000x128xf32>
    %dot_general3A_11 = tpu.matmul %add3A, %get3A_10, %dot_general3A {dimension_numbers = #tpu.dot_dimension_numbers<[1], [0], [0], [1], [0, 0, 1, 1], [], []>, transpose_lhs_hint = false} : vector<1000x128xf32>, vector<128x128xf32>, vector<1000x128xf32> -> vector<1000x128xf32>
    %add3A_12 = arith.addf %get3A_7, %dot_general3A_11 : vector<1000x128xf32>
    %get3A_13 = arith.constant 0 : index
    %get3A_14 = arith.constant 0 : index
    %get3A_15 = vector.load %arg5[%get3A_13, %get3A_14] : memref<1x128xf32, #tpu.memory_space<vmem>>, vector<1x128xf32>
    %add3A_16 = vector.broadcast %get3A_15 : vector<1x128xf32> to vector<1000x128xf32>
    %add3A_17 = arith.addf %add3A_12, %add3A_16 : vector<1000x128xf32>
    %swap3A = arith.constant 0 : index
    %swap3A_18 = arith.constant 0 : index
    %swap3A_19 = vector.load %arg6[%swap3A, %swap3A_18] : memref<1000x128xf32, #tpu.memory_space<vmem>>, vector<1000x128xf32>
    tpu.vector_store %arg6[%swap3A, %swap3A_18], %add3A_17 {strides = array<i32>} : memref<1000x128xf32, #tpu.memory_space<vmem>>, vector<1000x128xf32>,
    return
  }
  func.func @transform_0(%arg0: i32) -> (i32, i32) {
    %c0_i32 = arith.constant 0 : i32
    %c0_i32_0 = arith.constant 0 : i32
    return %arg0, %c0_i32 : i32, i32
  }
  func.func @transform_1(%arg0: i32) -> (i32, i32) {
    %c0_i32 = arith.constant 0 : i32
    %c0_i32_0 = arith.constant 0 : i32
    return %arg0, %c0_i32 : i32, i32
  }
  func.func @transform_2(%arg0: i32) -> (i32, i32) {
    %c0_i32 = arith.constant 0 : i32
    %c0_i32_0 = arith.constant 0 : i32
    return %arg0, %c0_i32 : i32, i32
  }
  func.func @transform_3(%arg0: i32) -> (i32, i32) {
    %c0_i32 = arith.constant 0 : i32
    %c0_i32_0 = arith.constant 0 : i32
    %c0_i32_1 = arith.constant 0 : i32
    return %c0_i32, %c0_i32_0 : i32, i32
  }
  func.func @transform_4(%arg0: i32) -> (i32, i32) {
    %c0_i32 = arith.constant 0 : i32
    %c0_i32_0 = arith.constant 0 : i32
    %c0_i32_1 = arith.constant 0 : i32
    return %c0_i32, %c0_i32_0 : i32, i32
  }
  func.func @transform_5(%arg0: i32) -> (i32, i32) {
    %c0_i32 = arith.constant 0 : i32
    %c0_i32_0 = arith.constant 0 : i32
    return %arg0, %c0_i32 : i32, i32
  }
}

</mosaic_0001>

<sc_bundles>
// kernel: kernel.6.cloned.1.call-start
scs
__scs_entry_jumppad:
0x0: {  	(pc) =	sbr.rel $0x88, $3  }
0x1: {  	(tag) =	ssettag $0x0;
	lr =	simm.s32 $0x1  }
0x2: {  	[smem:$0x3F9C] =	sst lr;
	_ =	strace $0xD0000000  }
0x3: {  	_ = 	snop  }
0x4: {  	_ = 	snop  }
0x5: {  	_ = 	snop  }
0x6: {  	_ = 	snop  }
0x7: {  	_ = 	snop  }
__scs_overlays_trampoline_lowered:
0x8: {  	[smem:$0x3FAB] =	sst s0  }
0x9: {  	[smem:$0x3FAC] =	sst s1  }
0xa: {  	[smem:$0x3FAD] =	sst s2  }
0xb: {  	[smem:$0x3FAE] =	sst s3  }
0xc: {  	[smem:$0x3FAF] =	sst s4  }
0xd: {  	[smem:$0x3FB0] =	sst s5  }
0xe: {  	[smem:$0x3FB1] =	sst s6  }
0xf: {  	[smem:$0x3FB2] =	sst s7  }
0x10: {  	[smem:$0x3FB3] =	sst s8  }
0x11: {  	[smem:$0x3FB4] =	sst s9;
	s0 =	simm.s32 @!p0 $0x0  }
0x12: {  	s1 =	sld [smem:$0x3F9A];
	s0 =	simm.s32 @p0 $0x1  }
0x13: {  	[smem:$0x3FB5] =	sst s0;
	s0 =	simm.s32 @!p1 $0x0  }
0x14: {  	s2 =	sld [smem:$0x3F99];
	s0 =	simm.s32 @p1 $0x1  }
0x15: {  	[smem:$0x3FB6] =	sst s0;
	s0 =	simm.s32 @!p2 $0x0  }
0x16: {  	s3 =	sld [smem:$0x3FDB];
	s0 =	simm.s32 @p2 $0x1  }
0x17: {  	s4 =	simm.s32 $0x1BF5;
	[smem:$0x3FB8] =	sst s0  }
0x18: {  	s0 =	sld [smem:$0x3F9B];
	_ =	swait.ge [sflag:s4], $0x0  }
0x19: {  	s7 =	sld [smem:$0x3F9C]  }
0x1a: {  	s8 =	sadd.s32 $0xFFFFE003, lr  }
0x1b: {  	s9 =	sadd.s32 $0xFFFFFEF7, lr;
	s5 =	simm.s32 $0xFFFFFFFF;
	p2 =	slt.u32 s8, $0xFFFFF086  }
0x1c: {  	p1 =	slt.u32 s9, $0xF7A;
	s5 =	simm.s32 @!p2 $0x0  }
0x1d: {  	s5 =	simm.s32 @p1 $0x1;
	p0 =	seq.s32 s7, s2  }
0x1e: {  	s7 =	smul.u32 @!p0 $0xF7A, s2;
	p2 =	seq.s32 @!p0 s5, $0x0  }
0x1f: {  	s9 =	smul.u32 $0xF7A, s1;
	s8 =	simm.s32 @!p0 $0x1BF5;
	p2 =	por !p2, p0  }
0x20: {  	[sflag:s8] =	ssyncset.s32 @!p0 $0xFFFFF086;
	s6 =	sadd.s32 @!p0 s3, s7;
	s7 =	simm.s32 @!p0 $0x108  }
0x21: {  	s3 =	sadd.s32 s3, s9;
	s6 =	sadd.s32 @!p0 $0x88, s6;
	s7 =	simm.s32 @p2 $0x1082  }
0x22: {  	[simem:s7], [sflag:s8] =	dma.local @!p0 [hbm:s6], $0xF7A  }
0x23: {  	s9 =	sor.u32 $0xD0000000, s2;
	s6 =	simm.s32 $0x108;
	_ =	swait.ge @!p0 [sflag:s8], $0x0  }
0x24: {  	s3 =	sadd.s32 $0x88, s3;
	s6 =	simm.s32 @!p1 $0x1082;
	[sflag:s4] =	ssyncset.s32 $0xFFFFF086  }
0x25: {  	[simem:s6], [sflag:s4] =	dma.local [hbm:s3], $0xF7A  }
0x26: {  	[smem:$0x3F9C] =	sst s1;
	(tag) =	ssettag s2;
	_ =	strace s9  }
0x27: {  	s1 =	sld [smem:$0x3FAC]  }
0x28: {  	s2 =	sld [smem:$0x3FAD]  }
0x29: {  	s4 =	sld [smem:$0x3FAF]  }
0x2a: {  	p0 =	seq.s32 s5, $0x0;
	s5 =	sld [smem:$0x3FB0]  }
0x2b: {  	s6 =	sld [smem:$0x3FB1]  }
0x2c: {  	s7 =	sld [smem:$0x3FB2]  }
0x2d: {  	s3 =	simm.s32 $0x108;
	s8 =	sld [smem:$0x3FB3]  }
0x2e: {  	s3 =	simm.s32 @!p0 $0x1082;
	s9 =	sld [smem:$0x3FB4]  }
0x2f: {  	lr =	sadd.s32 s0, s3;
	s0 =	sld [smem:$0x3FAB]  }
0x30: {  	s3 =	sld [smem:$0x3FAE]  }
0x31: {  	[smem:$0x3FB7] =	sst s10  }
0x32: {  	s10 =	sld [smem:$0x3FB5];
	_ =	sdelay $0x3  }
0x33: {  	p0 =	seq.s32 s10, $0x1;
	s10 =	sld [smem:$0x3FB7];
	_ =	sdelay $0x3  }
0x34: {  	[smem:$0x3FB7] =	sst s10  }
0x35: {  	s10 =	sld [smem:$0x3FB6];
	_ =	sdelay $0x3  }
0x36: {  	p1 =	seq.s32 s10, $0x1;
	s10 =	sld [smem:$0x3FB7];
	_ =	sdelay $0x3  }
0x37: {  	[smem:$0x3FB7] =	sst s10  }
0x38: {  	s10 =	sld [smem:$0x3FB8]  }
0x39: {  	_ = 	snop;
	(pc) =	sbr.ind lr, $3  }
0x3a: {  	_ = 	snop  }
0x3b: {  	_ = 	snop  }
0x3c: {  	p2 =	seq.s32 s10, $0x1;
	s10 =	sld [smem:$0x3FB7]  }
0x3d: {  	_ =	shalt  }
0x3e: {  	_ =	shalt  }
0x3f: {  	_ =	shalt  }
0x40: {  	_ =	shalt  }
0x41: {  	_ =	shalt  }
0x42: {  	_ =	shalt  }
0x43: {  	_ =	shalt  }
0x44: {  	_ =	shalt  }
0x45: {  	_ =	shalt  }
0x46: {  	_ =	shalt  }
0x47: {  	_ =	shalt  }
0x48: {  	_ =	shalt  }
0x49: {  	_ =	shalt  }
0x4a: {  	_ =	shalt  }
0x4b: {  	_ =	shalt  }
0x4c: {  	_ =	shalt  }
0x4d: {  	_ =	shalt  }
0x4e: {  	_ =	shalt  }
0x4f: {  	_ =	shalt  }
0x50: {  	_ =	shalt  }
0x51: {  	_ =	shalt  }
0x52: {  	_ =	shalt  }
0x53: {  	_ =	shalt  }
0x54: {  	_ =	shalt  }
0x55: {  	_ =	shalt  }
0x56: {  	_ =	shalt  }
0x57: {  	_ =	shalt  }
0x58: {  	_ =	shalt  }
0x59: {  	_ =	shalt  }
0x5a: {  	_ =	shalt  }
0x5b: {  	_ =	shalt  }
0x5c: {  	_ =	shalt  }
0x5d: {  	_ =	shalt  }
0x5e: {  	_ =	shalt  }
0x5f: {  	_ =	shalt  }
0x60: {  	_ =	shalt  }
0x61: {  	_ =	shalt  }
0x62: {  	_ =	shalt  }
0x63: {  	_ =	shalt  }
0x64: {  	_ =	shalt  }
0x65: {  	_ =	shalt  }
0x66: {  	_ =	shalt  }
0x67: {  	_ =	shalt  }
0x68: {  	_ =	shalt  }
0x69: {  	_ =	shalt  }
0x6a: {  	_ =	shalt  }
0x6b: {  	_ =	shalt  }
0x6c: {  	_ =	shalt  }
0x6d: {  	_ =	shalt  }
0x6e: {  	_ =	shalt  }
0x6f: {  	_ =	shalt  }
0x70: {  	_ =	shalt  }
0x71: {  	_ =	shalt  }
0x72: {  	_ =	shalt  }
0x73: {  	_ =	shalt  }
0x74: {  	_ =	shalt  }
0x75: {  	_ =	shalt  }
0x76: {  	_ =	shalt  }
0x77: {  	_ =	shalt  }
0x78: {  	_ =	shalt  }
0x79: {  	_ =	shalt  }
0x7a: {  	_ =	shalt  }
0x7b: {  	_ =	shalt  }
0x7c: {  	_ =	shalt  }
0x7d: {  	_ =	shalt  }
0x7e: {  	_ =	shalt  }
0x7f: {  	_ =	shalt  }
0x80: {  	_ =	shalt  }
0x81: {  	_ =	shalt  }
0x82: {  	_ =	shalt  }
0x83: {  	_ =	shalt  }
0x84: {  	_ =	shalt  }
0x85: {  	_ =	shalt  }
0x86: {  	_ =	shalt  }
0x87: {  	_ =	shalt  }
.Lfunc_end0:
.L_simem_size_0:
called_computation_lowered:
.L_overlay_start_0:
0x88: {  	s2 =	sld [smem:$0x3FD9]  }
0x89: {  	s3 =	sld [smem:$0x3FFE];
	_ =	sdelay $0x1  }
0x8a: {  	s1 =	srdreg.scid  }
0x8b: {  	s0 =	sand.u32 $0x1, s1  }
0x8c: {  	s17 =	sshll.u32 s0, $0xA;
	s2 =	sadd.s32 s3, s2  }
0x8d: {  	s2 =	sadd.s32 s2, s17  }
0x8e: {  	[smem:$0x3FC3] =	sst s2  }
0x8f: {  	_ = 	snop  }
0x90: {  	s2 =	sld [smem:$0x3FC9];
	(tm) =	ssettm $0x1  }
0x91: {  	s18 =	sld [smem:$0x3FFB];
	_ =	sdelay $0x3  }
0x92: {  	_ =	strace s18  }
0x93: {  	s3 =	sld [smem:$0x3FFC];
	_ =	sdelay $0x3  }
0x94: {  	_ =	strace s3  }
0x95: {  	s3 =	sld [smem:$0x3FFD];
	_ =	sdelay $0x3  }
0x96: {  	_ =	strace s3  }
0x97: {  	_ =	strace $0x8FFFFFFF  }
0x98: {  	s19 =	sld [smem:$0x3FDB];
	_ =	sdelay $0x1  }
0x99: {  	s4 =	simm.s32 $_scs_section_size  }
0x9a: {  	s5 =	simm.s32 $_size__tile_overlayer_lowered;
	s6 =	simm.s32 $_tile_overlayer_lowered  }
0x9b: {  	s22 =	simm.s32 $0x1BFF;
	s21 =	sshll.u32 s6, $0x1;
	s3 =	sadd.s32 s4, s19  }
0x9c: {  	s7 =	simm.s32 $0x0;
	s20 =	sshll.u32 s5, $0x1;
	s5 =	sadd.s32 s21, s3  }
0x9d: {  	[timem:s7], [sflag:s22] =	dma.local [hbm:s5], s20  }
0x9e: {  	_ =	swait.ge [sflag:s22], s20  }
0x9f: {  	s4 =	ssub.s32 $0x0, s20;
	[sflag:s22] =	ssyncset.done $0x0  }
0xa0: {  	[sflag:s22] =	ssyncadd.s32 s4;
	_ =	sdelay $0x1  }
0xa1: {  	s23 =	simm.s32 $0x1B8B  }
0xa2: {  	_ =	swait.ge [sflag:s23], $0x1  }
0xa3: {  	[sflag:s23] =	ssyncset.done $0x0  }
0xa4: {  	s25 =	simm.s32 $0x1B8E;
	s24 =	sld [smem:$0x3FFE];
	[sflag:s23] =	ssyncadd.s32 $0xFFFFFFFF  }
0xa5: {  	s26 =	simm.s32 $execute0_lowered;
	[smem:$0x3FD2] =	sst s25  }
0xa6: {  	s5 =	sshll.u32 s26, $0x1;
	_ =	strace $0x80000046;
	[dreg:$0x1] =	wrdreg $0xFFFFFFFF  }
0xa7: {  	s28 =	simm.s32 $_size_execute0_lowered;
	s3 =	sadd.s32 s3, s5;
	[dreg:$0x0] =	wrdreg $0x0  }
0xa8: {  	s5 =	sshll.u32 s28, $0x1;
	[dreg:$0x2] =	wrdreg s3  }
0xa9: {  	[dreg:$0x3] =	wrdreg s5  }
0xaa: {  	[dreg:$0x4] =	wrdreg $0xC0  }
0xab: {  	_ =	task [dreg:s7], $0x5FFFF  }
0xac: {  	[dreg:$0x1] =	wrdreg $0xFFFFFFFF  }
0xad: {  	[dreg:$0x0] =	wrdreg $0x60  }
0xae: {  	[dreg:$0x2] =	wrdreg s2  }
0xaf: {  	[dreg:$0x3] =	wrdreg s24  }
0xb0: {  	[dreg:$0x4] =	wrdreg $0x42000  }
0xb1: {  	[dreg:$0x5] =	wrdreg $0x9  }
0xb2: {  	_ =	task.clear_ibuf [dreg:s7], $0x6FFFF;
	_ =	strace $0x90000046  }
0xb3: {  	s29 =	simm.s32 $0x9;
	_ =	strace $0x80000048  }
0xb4: {  	_ =	swait.ge [sflag:s29], $0x1  }
0xb5: {  	[sflag:s29] =	ssyncadd.s32 $0xFFFFFFFF  }
0xb6: {  	_ =	strace $0x90000048  }
0xb7: {  	_ =	sfence  }
0xb8: {  	s30 =	sld [smem:$0x0];
	_ =	sdelay $0x2  }
0xb9: {  	s31 =	sshll.u32 s1, $0xD;
	s1 =	sshrl.u32 s1, $0x2  }
0xba: {  	s3 =	sand.u32 $0x4000, s31;
	s1 =	sadd.s32 s1, s30  }
0xbb: {  	s0 =	sor.u32 s3, s0;
	s1 =	sshll.u32 s1, $0x11  }
0xbc: {  	s0 =	sor.u32 s1, s0  }
0xbd: {  	s0 =	sadd.s32 $0x8F2B, s0  }
0xbe: {  	[sflag:s0] =	ssyncadd.remote.s32 $0x1  }
0xbf: {  	_ =	sfence.sel $0xFFFF  }
0xc0: {  	[dreg:$0x0] =	wrdreg $0xFFFFFFFF;
	(pc) =	sbr.abs _section_cstart, $3  }
0xc1: {  	[dreg:$0x1] =	wrdreg $0xFFFFFFFF  }
0xc2: {  	_ =	task.clear_ibuf [dreg:s7], $0x2FFFF;
	_ =	strace $0x9FFFFFFF  }
0xc3: {  	(tm) =	ssettm $0x7FFFFFFF  }
tec
execute0_lowered:
.L_overlay_start_1:
0x0: {  	(tag) =	ssettag $0x1  }
0x1: {  	s0 =	rddreg [dreg:$0x0]  }
0x2: {  	s6 =	rddreg [dreg:$0x1];
	s1 =	srdreg.scid  }
0x3: {  	s3 =	rddreg [dreg:$0x2];
	s2 =	stileid.u32  }
0x4: {  	s4 =	simm.s32 $0x0;
	s14 =	simm.s32 $0x200;
	s15 =	simm.s32 $0x2  }
0x5: {  	s16 =	simm.s32 $0x80;
	s7 =	sand.u32 $0x1, s1;
	s1 =	rddreg [dreg:$0x3]  }
0x6: {  	s17 =	simm.s32 $0x1;
	s8 =	smul.u32 $0x14000, s2;
	[smem:$0x7FF] =	sst s4  }
0x7: {  	s9 =	smul.u32 $0x50000, s2;
	s31 =	sshll.u32 s2, $0x1;
	s18 =	sshll.u32 s2, $0x6  }
0x8: {  	s5 =	smul.u32 $0x140000, s7;
	_ =	strace $0x80000047;
	s10 =	ssub.s32 $0x2, s7  }
0x9: {  	s11 =	sor.u32 s7, s31;
	s18 =	sor.u32 $0x1C02, s18;
	s29 =	sshrl.u32 s10, $0x1  }
0xa: {  	s30 =	sshrl.u32 s9, $0x2;
	s11 =	smul.u32 $0x4F, s11;
	s8 =	sadd.s32 s8, s5  }
0xb: {  	s5 =	sadd.s32 $0x1600, s6;
	s13 =	ssub.s32 s10, s29;
	s8 =	sshrl.u32 s8, $0x3  }
0xc: {  	s13 =	smax.u32 s13, $0x1;
	s12 =	sadd.s32 s8, s6;
	s6 =	sadd.s32 s30, s3  }
0xd: {  	s7 =	sadd.s32 $0x4000, s6;
	s8 =	sadd.s32 $0x8000, s6;
	s9 =	sadd.s32 $0xC000, s6  }
0xe: {  	v0 =	vimm.f32 $0.0e+00;
	s10 =	sadd.s32 $0x10000, s6;
	s12 =	sadd.s32 $0x28E00, s12;
	s19 =	sshrl.u32 s6, $0x3  }
.LBB2_1:
0xf: {  	s20 =	simm.s32 $0x0;
	s21 =	simm.s32 $0x200  }
.LBB2_2:
0x10: {  	p0 =	sne.s32 s21, $0xFE00;
	[tilespmem:s20+$0x270] =	vst v0  }
0x11: {  	[tilespmem:s20+$0x200] =	vst v0  }
0x12: {  	[tilespmem:s20+$0x210] =	vst v0  }
.Ltmp0:
0x13: {  	[tilespmem:s20+$0x220] =	vst v0;
	(pc) =	sbr.rel @p0 .LBB2_2-.Ltmp0, $4  }
0x14: {  	[tilespmem:s20+$0x230] =	vst v0  }
0x15: {  	[tilespmem:s20+$0x240] =	vst v0  }
0x16: {  	[tilespmem:s20+$0x250] =	vst v0  }
0x17: {  	[tilespmem:s20+$0x260] =	vst v0;
	s20 =	sshra.s32 s21, $0x2;
	s21 =	sadd.s32 $0x200, s21  }
0x18: {  	[tilespmem:s20+$0x270] =	vst v0  }
0x19: {  	[tilespmem:s20+$0x200] =	vst v0  }
0x1a: {  	[tilespmem:s20+$0x210] =	vst v0  }
0x1b: {  	[tilespmem:s20+$0x220] =	vst v0  }
0x1c: {  	[tilespmem:s20+$0x230] =	vst v0  }
0x1d: {  	[tilespmem:s20+$0x240] =	vst v0  }
0x1e: {  	[tilespmem:s20+$0x250] =	vst v0  }
0x1f: {  	[tilespmem:s20+$0x260] =	vst v0  }
0x20: {  	[spmem:s6] =	stream.linear.scatter [tilespmem:s14], [sflag:$0x2], $0x4000, $0x38;
	[tilespmem:$0x18200] =	vst v63  }
0x21: {  	_ =	swait.ge [sflag:s15], $0x4000  }
0x22: {  	[sflag:s15] =	ssyncset.done $0x0  }
0x23: {  	[sflag:s15] =	ssyncadd.s32 $0xFFFFC000  }
0x24: {  	[spmem:s7] =	stream.linear.scatter [tilespmem:s14], [sflag:$0x2], $0x4000, $0x38;
	[tilespmem:$0x18200] =	vst v63  }
0x25: {  	_ =	swait.ge [sflag:s15], $0x4000  }
0x26: {  	[sflag:s15] =	ssyncset.done $0x0  }
0x27: {  	[sflag:s15] =	ssyncadd.s32 $0xFFFFC000  }
0x28: {  	[spmem:s8] =	stream.linear.scatter [tilespmem:s14], [sflag:$0x2], $0x4000, $0x38;
	[tilespmem:$0x18200] =	vst v63  }
0x29: {  	_ =	swait.ge [sflag:s15], $0x4000  }
0x2a: {  	[sflag:s15] =	ssyncset.done $0x0  }
0x2b: {  	[sflag:s15] =	ssyncadd.s32 $0xFFFFC000  }
0x2c: {  	[spmem:s9] =	stream.linear.scatter [tilespmem:s14], [sflag:$0x2], $0x4000, $0x38;
	[tilespmem:$0x18200] =	vst v63  }
0x2d: {  	_ =	swait.ge [sflag:s15], $0x4000  }
0x2e: {  	[sflag:s15] =	ssyncset.done $0x0  }
0x2f: {  	[sflag:s15] =	ssyncadd.s32 $0xFFFFC000  }
0x30: {  	[spmem:s10] =	stream.linear.scatter [tilespmem:s14], [sflag:$0x2], $0x4000, $0x38;
	[tilespmem:$0x18200] =	vst v63  }
0x31: {  	_ =	swait.ge [sflag:s15], $0x4000  }
0x32: {  	[sflag:s15] =	ssyncset.done $0x0  }
0x33: {  	[sflag:s15] =	ssyncadd.s32 $0xFFFFC000  }
0x34: {  	s20 =	simm.s32 $0x0;
	s21 =	simm.s32 $0x0;
	[bflag:$0x0] =	sbarrier.arrive $0xFFFF  }
.LBB2_4:
0x35: {  	s22 =	sadd.s32 s11, s21  }
0x36: {  	s22 =	sshll.u32 s22, $0x6  }
0x37: {  	s22 =	sadd.s32 s5, s22  }
0x38: {  	[tilespmem:s20], [sflag:$0x2] =	stream.linear.gather [hbm4b:s22+s20], $0x180, $0x38;
	[tilespmem:$0x18200] =	vst v63  }
0x39: {  	_ =	swait.ge [sflag:s15], $0x180  }
0x3a: {  	[sflag:s15] =	ssyncset.done $0x0  }
0x3b: {  	[sflag:s15] =	ssyncadd.s32 $0xFFFFFE80  }
0x3c: {  	[tilespmem:s14], [sflag:$0x1] =	stream.indirect.gather [hbm4b:s0+s16], $0x80, s20, s16, $0xb8;
	[tilespmem:$0x18200] =	vst v63  }
0x3d: {  	_ =	swait.ge [sflag:s17], $0x4000  }
0x3e: {  	[sflag:s17] =	ssyncset.done $0x0  }
0x3f: {  	s22 =	simm.s32 $0x240;
	[sflag:s17] =	ssyncadd.s32 $0xFFFFC000  }
0x40: {  	v5 =	vld [tilespmem:s22+$0x30]  }
0x41: {  	v8 =	vld [tilespmem:s22+$0x10]  }
0x42: {  	s23 =	simm.s32 $0x0;
	v6 =	vld [tilespmem:s22+$0xFFFFFFC0]  }
0x43: {  	v2 =	vld.msk [tilespmem:s23+$0x100 ss:$0x0], $0xffff  }
0x44: {  	v10 =	vld [tilespmem:s22+$0xFFFFFFE0]  }
0x45: {  	v1 =	vld [tilespmem:s22+$0xFFFFFFF0]  }
0x46: {  	v3 =	vld [tilespmem:s22+$0x20]  }
0x47: {  	v4 =	vld [tilespmem:s22+$0xFFFFFFD0]  }
0x48: {  	v9 =	vmul.f32 v5, v2;
	v5 =	vld [tilespmem:s22+$0x0]  }
0x49: {  	v7 =	vmul.f32 v2, v6  }
0x4a: {  	s24 =	simm.s32 $0x240;
	s23 =	simm.s32 $0x4;
	v6 =	vmul.f32 v10, v2;
	v8 =	vmul.f32 v8, v2  }
.LBB2_5:
0x4b: {  	p0 =	sne.s32 s23, $0x1FC  }
0x4c: {  	v4 =	vmul.f32 v4, v2;
	v3 =	vmul.f32 v3, v2;
	[tilespmem:s22+$0x30] =	vst v9;
	s24 =	sadd.s32 $0x80, s24;
	s25 =	smov.u32 s23;
	s23 =	sadd.s32 $0x4, s23  }
0x4d: {  	[tilespmem:s22+$0xFFFFFFC0] =	vst v7;
	v7 =	vmul.f32 v1, v2;
	v2 =	vmul.f32 v5, v2  }
0x4e: {  	[tilespmem:s22+$0x10] =	vst v8  }
0x4f: {  	[tilespmem:s22+$0xFFFFFFE0] =	vst v6  }
0x50: {  	v1 =	vld [tilespmem:s24+$0xFFFFFFF0];
	[tilespmem:s22+$0xFFFFFFF0] =	vst v7  }
0x51: {  	v6 =	vld [tilespmem:s24+$0x30];
	[tilespmem:s22+$0x0] =	vst v2  }
0x52: {  	v8 =	vld [tilespmem:s24+$0x10];
	[tilespmem:s22+$0x20] =	vst v3  }
0x53: {  	s25 =	sshra.s32 s25, $0x2;
	v7 =	vld [tilespmem:s24+$0xFFFFFFC0];
	[tilespmem:s22+$0xFFFFFFD0] =	vst v4;
	s22 =	smov.u32 s24  }
0x54: {  	v2 =	vld.msk [tilespmem:s25+$0x100 ss:$0x0], $0xffff  }
0x55: {  	v10 =	vld [tilespmem:s24+$0xFFFFFFE0]  }
0x56: {  	v3 =	vld [tilespmem:s24+$0x20]  }
.Ltmp1:
0x57: {  	v4 =	vld [tilespmem:s24+$0xFFFFFFD0];
	(pc) =	sbr.rel @p0 .LBB2_5-.Ltmp1, $3  }
0x58: {  	v5 =	vld [tilespmem:s24+$0x0];
	_ =	sdelay $0x1  }
0x59: {  	v7 =	vmul.f32 v2, v7;
	v9 =	vmul.f32 v6, v2  }
0x5a: {  	v8 =	vmul.f32 v8, v2;
	v6 =	vmul.f32 v10, v2  }
0x5b: {  	[tilespmem:s22+$0x30] =	vst v9  }
0x5c: {  	[tilespmem:s22+$0xFFFFFFC0] =	vst v7  }
0x5d: {  	v1 =	vmul.f32 v1, v2;
	[tilespmem:s22+$0x10] =	vst v8  }
0x5e: {  	v3 =	vmul.f32 v3, v2;
	[tilespmem:s22+$0xFFFFFFE0] =	vst v6  }
0x5f: {  	v5 =	vmul.f32 v5, v2;
	[tilespmem:s22+$0xFFFFFFF0] =	vst v1  }
0x60: {  	s21 =	sadd.s32 $0x1, s21;
	v1 =	vmul.f32 v4, v2;
	[tilespmem:s22+$0x20] =	vst v3  }
0x61: {  	p0 =	sne.s32 s21, $0x4F;
	[tilespmem:s22+$0x0] =	vst v5  }
.Ltmp2:
0x62: {  	[tilespmem:s22+$0xFFFFFFD0] =	vst v1;
	(pc) =	sbr.rel @p0 .LBB2_4-.Ltmp2, $4  }
0x63: {  	[spmem:s3] =	stream.indirect.scatter.add.f32 [tilespmem:s14], [sflag:$0x2], $0x80, s16, s16, $0xb8;
	[tilespmem:$0x18200] =	vst v63  }
0x64: {  	_ =	swait.ge [sflag:s15], $0x4000  }
0x65: {  	[sflag:s15] =	ssyncset.done $0x0  }
0x66: {  	[sflag:s15] =	ssyncadd.s32 $0xFFFFC000  }
0x67: {  	s4 =	sadd.s32 $0x1, s4  }
0x68: {  	p0 =	sne.s32 s4, s13  }
.Ltmp3:
0x69: {  	[bflag:$0x0] =	sbarrier.arrive $0xFFFF;
	(pc) =	sbr.rel @p0 .LBB2_1-.Ltmp3, $4  }
0x6a: {  	[hbm:s12], [sflag:s18] =	dma.local [spmem:s19], $0x2800  }
0x6b: {  	_ =	swait.ge [sflag:s15], $0x2800  }
0x6c: {  	[sflag:s15] =	ssyncset.done $0x0  }
0x6d: {  	[sflag:s15] =	ssyncadd.s32 $0xFFFFD800  }
0x6e: {  	_ =	sfence.sel $0x180000  }
0x6f: {  	[bflag:$0x0] =	sbarrier.arrive $0xFFFF  }
0x70: {  	p0 =	sne.s32 s2, $0x0;
	_ =	strace $0x90000047  }
0x71: {  	s0 =	sadd.s32 @!p0 $0x100000, s1;
	[bflag:$0x2] =	sbarrier.arrive $0xFFFF  }
0x72: {  	[sflag:s0] =	ssyncadd.tile.s32 @!p0 $0x1;
	_ =	shalt  }
.Lfunc_end2:
_tile_overlayer_lowered:
.L_overlay_start_2:
0x73: {  	(tag) =	ssettag $0x2  }
0x74: {  	s0 =	rddreg [dreg:$0x0];
	s2 =	stileid.u32  }
0x75: {  	s1 =	rddreg [dreg:$0x1];
	p0 =	sne.s32 s2, $0x0  }
0x76: {  	s3 =	rddreg [dreg:$0x2];
	[bflag:$0x3] =	sbarrier.arrive $0xFFFF;
	s2 =	simm.s32 @!p0 $0x1C02  }
0x77: {  	[timem:s3], [sflag:s2] =	dma.local @!p0 [hbm:s0], s1  }
0x78: {  	s0 =	simm.s32 @!p0 $0x2  }
0x79: {  	_ =	swait.ge @!p0 [sflag:s0], s1  }
0x7a: {  	s1 =	ssub.s32 @!p0 $0x0, s1;
	[sflag:s0] =	ssyncset.done @!p0 $0x0  }
0x7b: {  	[sflag:s0] =	ssyncadd.s32 @!p0 s1  }
0x7c: {  	[bflag:$0x3] =	sbarrier.arrive $0xFFFF  }
0x7d: {  	_ =	shalt  }

// kernel: kernel.9.cloned.1.call-start
scs
__scs_entry_jumppad:
0x0: {  	(pc) =	sbr.rel $0x88, $3  }
0x1: {  	(tag) =	ssettag $0x0;
	lr =	simm.s32 $0x1  }
0x2: {  	[smem:$0x3F9C] =	sst lr;
	_ =	strace $0xD0000000  }
0x3: {  	_ = 	snop  }
0x4: {  	_ = 	snop  }
0x5: {  	_ = 	snop  }
0x6: {  	_ = 	snop  }
0x7: {  	_ = 	snop  }
__scs_overlays_trampoline_lowered:
0x8: {  	[smem:$0x3FAB] =	sst s0  }
0x9: {  	[smem:$0x3FAC] =	sst s1  }
0xa: {  	[smem:$0x3FAD] =	sst s2  }
0xb: {  	[smem:$0x3FAE] =	sst s3  }
0xc: {  	[smem:$0x3FAF] =	sst s4  }
0xd: {  	[smem:$0x3FB0] =	sst s5  }
0xe: {  	[smem:$0x3FB1] =	sst s6  }
0xf: {  	[smem:$0x3FB2] =	sst s7  }
0x10: {  	[smem:$0x3FB3] =	sst s8  }
0x11: {  	[smem:$0x3FB4] =	sst s9;
	s0 =	simm.s32 @!p0 $0x0  }
0x12: {  	s1 =	sld [smem:$0x3F9A];
	s0 =	simm.s32 @p0 $0x1  }
0x13: {  	[smem:$0x3FB5] =	sst s0;
	s0 =	simm.s32 @!p1 $0x0  }
0x14: {  	s2 =	sld [smem:$0x3F99];
	s0 =	simm.s32 @p1 $0x1  }
0x15: {  	[smem:$0x3FB6] =	sst s0;
	s0 =	simm.s32 @!p2 $0x0  }
0x16: {  	s3 =	sld [smem:$0x3FDB];
	s0 =	simm.s32 @p2 $0x1  }
0x17: {  	s4 =	simm.s32 $0x1BF5;
	[smem:$0x3FB8] =	sst s0  }
0x18: {  	s0 =	sld [smem:$0x3F9B];
	_ =	swait.ge [sflag:s4], $0x0  }
0x19: {  	s7 =	sld [smem:$0x3F9C]  }
0x1a: {  	s8 =	sadd.s32 $0xFFFFE003, lr  }
0x1b: {  	s9 =	sadd.s32 $0xFFFFFEF7, lr;
	s5 =	simm.s32 $0xFFFFFFFF;
	p2 =	slt.u32 s8, $0xFFFFF086  }
0x1c: {  	p1 =	slt.u32 s9, $0xF7A;
	s5 =	simm.s32 @!p2 $0x0  }
0x1d: {  	s5 =	simm.s32 @p1 $0x1;
	p0 =	seq.s32 s7, s2  }
0x1e: {  	s7 =	smul.u32 @!p0 $0xF7A, s2;
	p2 =	seq.s32 @!p0 s5, $0x0  }
0x1f: {  	s9 =	smul.u32 $0xF7A, s1;
	s8 =	simm.s32 @!p0 $0x1BF5;
	p2 =	por !p2, p0  }
0x20: {  	[sflag:s8] =	ssyncset.s32 @!p0 $0xFFFFF086;
	s6 =	sadd.s32 @!p0 s3, s7;
	s7 =	simm.s32 @!p0 $0x108  }
0x21: {  	s3 =	sadd.s32 s3, s9;
	s6 =	sadd.s32 @!p0 $0x88, s6;
	s7 =	simm.s32 @p2 $0x1082  }
0x22: {  	[simem:s7], [sflag:s8] =	dma.local @!p0 [hbm:s6], $0xF7A  }
0x23: {  	s9 =	sor.u32 $0xD0000000, s2;
	s6 =	simm.s32 $0x108;
	_ =	swait.ge @!p0 [sflag:s8], $0x0  }
0x24: {  	s3 =	sadd.s32 $0x88, s3;
	s6 =	simm.s32 @!p1 $0x1082;
	[sflag:s4] =	ssyncset.s32 $0xFFFFF086  }
0x25: {  	[simem:s6], [sflag:s4] =	dma.local [hbm:s3], $0xF7A  }
0x26: {  	[smem:$0x3F9C] =	sst s1;
	(tag) =	ssettag s2;
	_ =	strace s9  }
0x27: {  	s1 =	sld [smem:$0x3FAC]  }
0x28: {  	s2 =	sld [smem:$0x3FAD]  }
0x29: {  	s4 =	sld [smem:$0x3FAF]  }
0x2a: {  	p0 =	seq.s32 s5, $0x0;
	s5 =	sld [smem:$0x3FB0]  }
0x2b: {  	s6 =	sld [smem:$0x3FB1]  }
0x2c: {  	s7 =	sld [smem:$0x3FB2]  }
0x2d: {  	s3 =	simm.s32 $0x108;
	s8 =	sld [smem:$0x3FB3]  }
0x2e: {  	s3 =	simm.s32 @!p0 $0x1082;
	s9 =	sld [smem:$0x3FB4]  }
0x2f: {  	lr =	sadd.s32 s0, s3;
	s0 =	sld [smem:$0x3FAB]  }
0x30: {  	s3 =	sld [smem:$0x3FAE]  }
0x31: {  	[smem:$0x3FB7] =	sst s10  }
0x32: {  	s10 =	sld [smem:$0x3FB5];
	_ =	sdelay $0x3  }
0x33: {  	p0 =	seq.s32 s10, $0x1;
	s10 =	sld [smem:$0x3FB7];
	_ =	sdelay $0x3  }
0x34: {  	[smem:$0x3FB7] =	sst s10  }
0x35: {  	s10 =	sld [smem:$0x3FB6];
	_ =	sdelay $0x3  }
0x36: {  	p1 =	seq.s32 s10, $0x1;
	s10 =	sld [smem:$0x3FB7];
	_ =	sdelay $0x3  }
0x37: {  	[smem:$0x3FB7] =	sst s10  }
0x38: {  	s10 =	sld [smem:$0x3FB8]  }
0x39: {  	_ = 	snop;
	(pc) =	sbr.ind lr, $3  }
0x3a: {  	_ = 	snop  }
0x3b: {  	_ = 	snop  }
0x3c: {  	p2 =	seq.s32 s10, $0x1;
	s10 =	sld [smem:$0x3FB7]  }
0x3d: {  	_ =	shalt  }
0x3e: {  	_ =	shalt  }
0x3f: {  	_ =	shalt  }
0x40: {  	_ =	shalt  }
0x41: {  	_ =	shalt  }
0x42: {  	_ =	shalt  }
0x43: {  	_ =	shalt  }
0x44: {  	_ =	shalt  }
0x45: {  	_ =	shalt  }
0x46: {  	_ =	shalt  }
0x47: {  	_ =	shalt  }
0x48: {  	_ =	shalt  }
0x49: {  	_ =	shalt  }
0x4a: {  	_ =	shalt  }
0x4b: {  	_ =	shalt  }
0x4c: {  	_ =	shalt  }
0x4d: {  	_ =	shalt  }
0x4e: {  	_ =	shalt  }
0x4f: {  	_ =	shalt  }
0x50: {  	_ =	shalt  }
0x51: {  	_ =	shalt  }
0x52: {  	_ =	shalt  }
0x53: {  	_ =	shalt  }
0x54: {  	_ =	shalt  }
0x55: {  	_ =	shalt  }
0x56: {  	_ =	shalt  }
0x57: {  	_ =	shalt  }
0x58: {  	_ =	shalt  }
0x59: {  	_ =	shalt  }
0x5a: {  	_ =	shalt  }
0x5b: {  	_ =	shalt  }
0x5c: {  	_ =	shalt  }
0x5d: {  	_ =	shalt  }
0x5e: {  	_ =	shalt  }
0x5f: {  	_ =	shalt  }
0x60: {  	_ =	shalt  }
0x61: {  	_ =	shalt  }
0x62: {  	_ =	shalt  }
0x63: {  	_ =	shalt  }
0x64: {  	_ =	shalt  }
0x65: {  	_ =	shalt  }
0x66: {  	_ =	shalt  }
0x67: {  	_ =	shalt  }
0x68: {  	_ =	shalt  }
0x69: {  	_ =	shalt  }
0x6a: {  	_ =	shalt  }
0x6b: {  	_ =	shalt  }
0x6c: {  	_ =	shalt  }
0x6d: {  	_ =	shalt  }
0x6e: {  	_ =	shalt  }
0x6f: {  	_ =	shalt  }
0x70: {  	_ =	shalt  }
0x71: {  	_ =	shalt  }
0x72: {  	_ =	shalt  }
0x73: {  	_ =	shalt  }
0x74: {  	_ =	shalt  }
0x75: {  	_ =	shalt  }
0x76: {  	_ =	shalt  }
0x77: {  	_ =	shalt  }
0x78: {  	_ =	shalt  }
0x79: {  	_ =	shalt  }
0x7a: {  	_ =	shalt  }
0x7b: {  	_ =	shalt  }
0x7c: {  	_ =	shalt  }
0x7d: {  	_ =	shalt  }
0x7e: {  	_ =	shalt  }
0x7f: {  	_ =	shalt  }
0x80: {  	_ =	shalt  }
0x81: {  	_ =	shalt  }
0x82: {  	_ =	shalt  }
0x83: {  	_ =	shalt  }
0x84: {  	_ =	shalt  }
0x85: {  	_ =	shalt  }
0x86: {  	_ =	shalt  }
0x87: {  	_ =	shalt  }
.Lfunc_end0:
.L_simem_size_0:
called_computation.1_lowered:
.L_overlay_start_0:
0x88: {  	s2 =	sld [smem:$0x3FD9]  }
0x89: {  	s3 =	sld [smem:$0x3FFE];
	_ =	sdelay $0x1  }
0x8a: {  	s1 =	srdreg.scid  }
0x8b: {  	s0 =	sand.u32 $0x1, s1  }
0x8c: {  	s17 =	sshll.u32 s0, $0xA;
	s2 =	sadd.s32 s3, s2  }
0x8d: {  	s2 =	sadd.s32 s2, s17  }
0x8e: {  	[smem:$0x3FC3] =	sst s2  }
0x8f: {  	_ = 	snop  }
0x90: {  	s2 =	sld [smem:$0x3FD0];
	(tm) =	ssettm $0x1  }
0x91: {  	s18 =	sld [smem:$0x3FFB];
	_ =	sdelay $0x3  }
0x92: {  	_ =	strace s18  }
0x93: {  	s3 =	sld [smem:$0x3FFC];
	_ =	sdelay $0x3  }
0x94: {  	_ =	strace s3  }
0x95: {  	s3 =	sld [smem:$0x3FFD];
	_ =	sdelay $0x3  }
0x96: {  	_ =	strace s3  }
0x97: {  	_ =	strace $0x8FFFFFFF  }
0x98: {  	s19 =	sld [smem:$0x3FDB];
	_ =	sdelay $0x1  }
0x99: {  	s4 =	simm.s32 $_scs_section_size  }
0x9a: {  	s5 =	simm.s32 $_size__tile_overlayer_lowered;
	s6 =	simm.s32 $_tile_overlayer_lowered  }
0x9b: {  	s22 =	simm.s32 $0x1BFF;
	s21 =	sshll.u32 s6, $0x1;
	s3 =	sadd.s32 s4, s19  }
0x9c: {  	s7 =	simm.s32 $0x0;
	s20 =	sshll.u32 s5, $0x1;
	s5 =	sadd.s32 s21, s3  }
0x9d: {  	[timem:s7], [sflag:s22] =	dma.local [hbm:s5], s20  }
0x9e: {  	_ =	swait.ge [sflag:s22], s20  }
0x9f: {  	s4 =	ssub.s32 $0x0, s20;
	[sflag:s22] =	ssyncset.done $0x0  }
0xa0: {  	[sflag:s22] =	ssyncadd.s32 s4;
	_ =	sdelay $0x1  }
0xa1: {  	s23 =	simm.s32 $0x1B8B  }
0xa2: {  	_ =	swait.ge [sflag:s23], $0x1  }
0xa3: {  	[sflag:s23] =	ssyncset.done $0x0  }
0xa4: {  	s25 =	simm.s32 $0x1B8E;
	s24 =	sld [smem:$0x3FFE];
	[sflag:s23] =	ssyncadd.s32 $0xFFFFFFFF  }
0xa5: {  	s26 =	simm.s32 $execute0_lowered;
	[smem:$0x3FD2] =	sst s25  }
0xa6: {  	s5 =	sshll.u32 s26, $0x1;
	_ =	strace $0x80000049;
	[dreg:$0x1] =	wrdreg $0xFFFFFFFF  }
0xa7: {  	s28 =	simm.s32 $_size_execute0_lowered;
	s3 =	sadd.s32 s3, s5;
	[dreg:$0x0] =	wrdreg $0x0  }
0xa8: {  	s5 =	sshll.u32 s28, $0x1;
	[dreg:$0x2] =	wrdreg s3  }
0xa9: {  	[dreg:$0x3] =	wrdreg s5  }
0xaa: {  	[dreg:$0x4] =	wrdreg $0xC0  }
0xab: {  	_ =	task [dreg:s7], $0x5FFFF  }
0xac: {  	[dreg:$0x1] =	wrdreg $0xFFFFFFFF  }
0xad: {  	[dreg:$0x0] =	wrdreg $0x60  }
0xae: {  	[dreg:$0x2] =	wrdreg s2  }
0xaf: {  	[dreg:$0x3] =	wrdreg s24  }
0xb0: {  	[dreg:$0x4] =	wrdreg $0x42000  }
0xb1: {  	[dreg:$0x5] =	wrdreg $0x9  }
0xb2: {  	_ =	task.clear_ibuf [dreg:s7], $0x6FFFF;
	_ =	strace $0x90000049  }
0xb3: {  	s29 =	simm.s32 $0x9;
	_ =	strace $0x8000004B  }
0xb4: {  	_ =	swait.ge [sflag:s29], $0x1  }
0xb5: {  	[sflag:s29] =	ssyncadd.s32 $0xFFFFFFFF  }
0xb6: {  	_ =	strace $0x9000004B  }
0xb7: {  	_ =	sfence  }
0xb8: {  	s30 =	sld [smem:$0x0];
	_ =	sdelay $0x2  }
0xb9: {  	s31 =	sshll.u32 s1, $0xD;
	s1 =	sshrl.u32 s1, $0x2  }
0xba: {  	s3 =	sand.u32 $0x4000, s31;
	s1 =	sadd.s32 s1, s30  }
0xbb: {  	s0 =	sor.u32 s3, s0;
	s1 =	sshll.u32 s1, $0x11  }
0xbc: {  	s0 =	sor.u32 s1, s0  }
0xbd: {  	s0 =	sadd.s32 $0x8F2B, s0  }
0xbe: {  	[sflag:s0] =	ssyncadd.remote.s32 $0x1  }
0xbf: {  	_ =	sfence.sel $0xFFFF  }
0xc0: {  	[dreg:$0x0] =	wrdreg $0xFFFFFFFF;
	(pc) =	sbr.abs _section_cstart, $3  }
0xc1: {  	[dreg:$0x1] =	wrdreg $0xFFFFFFFF  }
0xc2: {  	_ =	task.clear_ibuf [dreg:s7], $0x2FFFF;
	_ =	strace $0x9FFFFFFF  }
0xc3: {  	(tm) =	ssettm $0x7FFFFFFF  }
tec
execute0_lowered:
.L_overlay_start_1:
0x0: {  	(tag) =	ssettag $0x1  }
0x1: {  	s0 =	rddreg [dreg:$0x0]  }
0x2: {  	s6 =	rddreg [dreg:$0x1];
	s1 =	srdreg.scid  }
0x3: {  	s3 =	rddreg [dreg:$0x2];
	s2 =	stileid.u32  }
0x4: {  	s4 =	simm.s32 $0x0;
	s14 =	simm.s32 $0x200;
	s15 =	simm.s32 $0x2  }
0x5: {  	s16 =	simm.s32 $0x80;
	s7 =	sand.u32 $0x1, s1;
	s1 =	rddreg [dreg:$0x3]  }
0x6: {  	s17 =	simm.s32 $0x1;
	s8 =	smul.u32 $0x14000, s2;
	[smem:$0x7FF] =	sst s4  }
0x7: {  	s9 =	smul.u32 $0x50000, s2;
	s31 =	sshll.u32 s2, $0x1;
	s18 =	sshll.u32 s2, $0x6  }
0x8: {  	s5 =	smul.u32 $0x140000, s7;
	_ =	strace $0x8000004A;
	s10 =	ssub.s32 $0x2, s7  }
0x9: {  	s11 =	sor.u32 s7, s31;
	s18 =	sor.u32 $0x1C02, s18;
	s29 =	sshrl.u32 s10, $0x1  }
0xa: {  	s30 =	sshrl.u32 s9, $0x2;
	s11 =	smul.u32 $0x4F, s11;
	s8 =	sadd.s32 s8, s5  }
0xb: {  	s5 =	sadd.s32 $0x1600, s6;
	s13 =	ssub.s32 s10, s29;
	s8 =	sshrl.u32 s8, $0x3  }
0xc: {  	s13 =	smax.u32 s13, $0x1;
	s12 =	sadd.s32 s8, s6;
	s6 =	sadd.s32 s30, s3  }
0xd: {  	s7 =	sadd.s32 $0x4000, s6;
	s8 =	sadd.s32 $0x8000, s6;
	s9 =	sadd.s32 $0xC000, s6  }
0xe: {  	v0 =	vimm.f32 $0.0e+00;
	s10 =	sadd.s32 $0x10000, s6;
	s12 =	sadd.s32 $0x28E00, s12;
	s19 =	sshrl.u32 s6, $0x3  }
.LBB2_1:
0xf: {  	s20 =	simm.s32 $0x0;
	s21 =	simm.s32 $0x200  }
.LBB2_2:
0x10: {  	p0 =	sne.s32 s21, $0xFE00;
	[tilespmem:s20+$0x270] =	vst v0  }
0x11: {  	[tilespmem:s20+$0x200] =	vst v0  }
0x12: {  	[tilespmem:s20+$0x210] =	vst v0  }
.Ltmp0:
0x13: {  	[tilespmem:s20+$0x220] =	vst v0;
	(pc) =	sbr.rel @p0 .LBB2_2-.Ltmp0, $4  }
0x14: {  	[tilespmem:s20+$0x230] =	vst v0  }
0x15: {  	[tilespmem:s20+$0x240] =	vst v0  }
0x16: {  	[tilespmem:s20+$0x250] =	vst v0  }
0x17: {  	[tilespmem:s20+$0x260] =	vst v0;
	s20 =	sshra.s32 s21, $0x2;
	s21 =	sadd.s32 $0x200, s21  }
0x18: {  	[tilespmem:s20+$0x270] =	vst v0  }
0x19: {  	[tilespmem:s20+$0x200] =	vst v0  }
0x1a: {  	[tilespmem:s20+$0x210] =	vst v0  }
0x1b: {  	[tilespmem:s20+$0x220] =	vst v0  }
0x1c: {  	[tilespmem:s20+$0x230] =	vst v0  }
0x1d: {  	[tilespmem:s20+$0x240] =	vst v0  }
0x1e: {  	[tilespmem:s20+$0x250] =	vst v0  }
0x1f: {  	[tilespmem:s20+$0x260] =	vst v0  }
0x20: {  	[spmem:s6] =	stream.linear.scatter [tilespmem:s14], [sflag:$0x2], $0x4000, $0x38;
	[tilespmem:$0x18200] =	vst v63  }
0x21: {  	_ =	swait.ge [sflag:s15], $0x4000  }
0x22: {  	[sflag:s15] =	ssyncset.done $0x0  }
0x23: {  	[sflag:s15] =	ssyncadd.s32 $0xFFFFC000  }
0x24: {  	[spmem:s7] =	stream.linear.scatter [tilespmem:s14], [sflag:$0x2], $0x4000, $0x38;
	[tilespmem:$0x18200] =	vst v63  }
0x25: {  	_ =	swait.ge [sflag:s15], $0x4000  }
0x26: {  	[sflag:s15] =	ssyncset.done $0x0  }
0x27: {  	[sflag:s15] =	ssyncadd.s32 $0xFFFFC000  }
0x28: {  	[spmem:s8] =	stream.linear.scatter [tilespmem:s14], [sflag:$0x2], $0x4000, $0x38;
	[tilespmem:$0x18200] =	vst v63  }
0x29: {  	_ =	swait.ge [sflag:s15], $0x4000  }
0x2a: {  	[sflag:s15] =	ssyncset.done $0x0  }
0x2b: {  	[sflag:s15] =	ssyncadd.s32 $0xFFFFC000  }
0x2c: {  	[spmem:s9] =	stream.linear.scatter [tilespmem:s14], [sflag:$0x2], $0x4000, $0x38;
	[tilespmem:$0x18200] =	vst v63  }
0x2d: {  	_ =	swait.ge [sflag:s15], $0x4000  }
0x2e: {  	[sflag:s15] =	ssyncset.done $0x0  }
0x2f: {  	[sflag:s15] =	ssyncadd.s32 $0xFFFFC000  }
0x30: {  	[spmem:s10] =	stream.linear.scatter [tilespmem:s14], [sflag:$0x2], $0x4000, $0x38;
	[tilespmem:$0x18200] =	vst v63  }
0x31: {  	_ =	swait.ge [sflag:s15], $0x4000  }
0x32: {  	[sflag:s15] =	ssyncset.done $0x0  }
0x33: {  	[sflag:s15] =	ssyncadd.s32 $0xFFFFC000  }
0x34: {  	s20 =	simm.s32 $0x0;
	s21 =	simm.s32 $0x0;
	[bflag:$0x0] =	sbarrier.arrive $0xFFFF  }
.LBB2_4:
0x35: {  	s22 =	sadd.s32 s11, s21  }
0x36: {  	s22 =	sshll.u32 s22, $0x6  }
0x37: {  	s22 =	sadd.s32 s5, s22  }
0x38: {  	[tilespmem:s20], [sflag:$0x2] =	stream.linear.gather [hbm4b:s22+s20], $0x180, $0x38;
	[tilespmem:$0x18200] =	vst v63  }
0x39: {  	_ =	swait.ge [sflag:s15], $0x180  }
0x3a: {  	[sflag:s15] =	ssyncset.done $0x0  }
0x3b: {  	[sflag:s15] =	ssyncadd.s32 $0xFFFFFE80  }
0x3c: {  	[tilespmem:s14], [sflag:$0x1] =	stream.indirect.gather [hbm4b:s0+s16], $0x80, s20, s16, $0xb8;
	[tilespmem:$0x18200] =	vst v63  }
0x3d: {  	_ =	swait.ge [sflag:s17], $0x4000  }
0x3e: {  	[sflag:s17] =	ssyncset.done $0x0  }
0x3f: {  	s22 =	simm.s32 $0x240;
	[sflag:s17] =	ssyncadd.s32 $0xFFFFC000  }
0x40: {  	v5 =	vld [tilespmem:s22+$0x30]  }
0x41: {  	v8 =	vld [tilespmem:s22+$0x10]  }
0x42: {  	s23 =	simm.s32 $0x0;
	v6 =	vld [tilespmem:s22+$0xFFFFFFC0]  }
0x43: {  	v2 =	vld.msk [tilespmem:s23+$0x100 ss:$0x0], $0xffff  }
0x44: {  	v10 =	vld [tilespmem:s22+$0xFFFFFFE0]  }
0x45: {  	v1 =	vld [tilespmem:s22+$0xFFFFFFF0]  }
0x46: {  	v3 =	vld [tilespmem:s22+$0x20]  }
0x47: {  	v4 =	vld [tilespmem:s22+$0xFFFFFFD0]  }
0x48: {  	v9 =	vmul.f32 v5, v2;
	v5 =	vld [tilespmem:s22+$0x0]  }
0x49: {  	v7 =	vmul.f32 v2, v6  }
0x4a: {  	s24 =	simm.s32 $0x240;
	s23 =	simm.s32 $0x4;
	v6 =	vmul.f32 v10, v2;
	v8 =	vmul.f32 v8, v2  }
.LBB2_5:
0x4b: {  	p0 =	sne.s32 s23, $0x1FC  }
0x4c: {  	v4 =	vmul.f32 v4, v2;
	v3 =	vmul.f32 v3, v2;
	[tilespmem:s22+$0x30] =	vst v9;
	s24 =	sadd.s32 $0x80, s24;
	s25 =	smov.u32 s23;
	s23 =	sadd.s32 $0x4, s23  }
0x4d: {  	[tilespmem:s22+$0xFFFFFFC0] =	vst v7;
	v7 =	vmul.f32 v1, v2;
	v2 =	vmul.f32 v5, v2  }
0x4e: {  	[tilespmem:s22+$0x10] =	vst v8  }
0x4f: {  	[tilespmem:s22+$0xFFFFFFE0] =	vst v6  }
0x50: {  	v1 =	vld [tilespmem:s24+$0xFFFFFFF0];
	[tilespmem:s22+$0xFFFFFFF0] =	vst v7  }
0x51: {  	v6 =	vld [tilespmem:s24+$0x30];
	[tilespmem:s22+$0x0] =	vst v2  }
0x52: {  	v8 =	vld [tilespmem:s24+$0x10];
	[tilespmem:s22+$0x20] =	vst v3  }
0x53: {  	s25 =	sshra.s32 s25, $0x2;
	v7 =	vld [tilespmem:s24+$0xFFFFFFC0];
	[tilespmem:s22+$0xFFFFFFD0] =	vst v4;
	s22 =	smov.u32 s24  }
0x54: {  	v2 =	vld.msk [tilespmem:s25+$0x100 ss:$0x0], $0xffff  }
0x55: {  	v10 =	vld [tilespmem:s24+$0xFFFFFFE0]  }
0x56: {  	v3 =	vld [tilespmem:s24+$0x20]  }
.Ltmp1:
0x57: {  	v4 =	vld [tilespmem:s24+$0xFFFFFFD0];
	(pc) =	sbr.rel @p0 .LBB2_5-.Ltmp1, $3  }
0x58: {  	v5 =	vld [tilespmem:s24+$0x0];
	_ =	sdelay $0x1  }
0x59: {  	v7 =	vmul.f32 v2, v7;
	v9 =	vmul.f32 v6, v2  }
0x5a: {  	v8 =	vmul.f32 v8, v2;
	v6 =	vmul.f32 v10, v2  }
0x5b: {  	[tilespmem:s22+$0x30] =	vst v9  }
0x5c: {  	[tilespmem:s22+$0xFFFFFFC0] =	vst v7  }
0x5d: {  	v1 =	vmul.f32 v1, v2;
	[tilespmem:s22+$0x10] =	vst v8  }
0x5e: {  	v3 =	vmul.f32 v3, v2;
	[tilespmem:s22+$0xFFFFFFE0] =	vst v6  }
0x5f: {  	v5 =	vmul.f32 v5, v2;
	[tilespmem:s22+$0xFFFFFFF0] =	vst v1  }
0x60: {  	s21 =	sadd.s32 $0x1, s21;
	v1 =	vmul.f32 v4, v2;
	[tilespmem:s22+$0x20] =	vst v3  }
0x61: {  	p0 =	sne.s32 s21, $0x4F;
	[tilespmem:s22+$0x0] =	vst v5  }
.Ltmp2:
0x62: {  	[tilespmem:s22+$0xFFFFFFD0] =	vst v1;
	(pc) =	sbr.rel @p0 .LBB2_4-.Ltmp2, $4  }
0x63: {  	[spmem:s3] =	stream.indirect.scatter.add.f32 [tilespmem:s14], [sflag:$0x2], $0x80, s16, s16, $0xb8;
	[tilespmem:$0x18200] =	vst v63  }
0x64: {  	_ =	swait.ge [sflag:s15], $0x4000  }
0x65: {  	[sflag:s15] =	ssyncset.done $0x0  }
0x66: {  	[sflag:s15] =	ssyncadd.s32 $0xFFFFC000  }
0x67: {  	s4 =	sadd.s32 $0x1, s4  }
0x68: {  	p0 =	sne.s32 s4, s13  }
.Ltmp3:
0x69: {  	[bflag:$0x0] =	sbarrier.arrive $0xFFFF;
	(pc) =	sbr.rel @p0 .LBB2_1-.Ltmp3, $4  }
0x6a: {  	[hbm:s12], [sflag:s18] =	dma.local [spmem:s19], $0x2800  }
0x6b: {  	_ =	swait.ge [sflag:s15], $0x2800  }
0x6c: {  	[sflag:s15] =	ssyncset.done $0x0  }
0x6d: {  	[sflag:s15] =	ssyncadd.s32 $0xFFFFD800  }
0x6e: {  	_ =	sfence.sel $0x180000  }
0x6f: {  	[bflag:$0x0] =	sbarrier.arrive $0xFFFF  }
0x70: {  	p0 =	sne.s32 s2, $0x0;
	_ =	strace $0x9000004A  }
0x71: {  	s0 =	sadd.s32 @!p0 $0x100000, s1;
	[bflag:$0x2] =	sbarrier.arrive $0xFFFF  }
0x72: {  	[sflag:s0] =	ssyncadd.tile.s32 @!p0 $0x1;
	_ =	shalt  }
.Lfunc_end2:
_tile_overlayer_lowered:
.L_overlay_start_2:
0x73: {  	(tag) =	ssettag $0x2  }
0x74: {  	s0 =	rddreg [dreg:$0x0];
	s2 =	stileid.u32  }
0x75: {  	s1 =	rddreg [dreg:$0x1];
	p0 =	sne.s32 s2, $0x0  }
0x76: {  	s3 =	rddreg [dreg:$0x2];
	[bflag:$0x3] =	sbarrier.arrive $0xFFFF;
	s2 =	simm.s32 @!p0 $0x1C02  }
0x77: {  	[timem:s3], [sflag:s2] =	dma.local @!p0 [hbm:s0], s1  }
0x78: {  	s0 =	simm.s32 @!p0 $0x2  }
0x79: {  	_ =	swait.ge @!p0 [sflag:s0], s1  }
0x7a: {  	s1 =	ssub.s32 @!p0 $0x0, s1;
	[sflag:s0] =	ssyncset.done @!p0 $0x0  }
0x7b: {  	[sflag:s0] =	ssyncadd.s32 @!p0 s1  }
0x7c: {  	[bflag:$0x3] =	sbarrier.arrive $0xFFFF  }
0x7d: {  	_ =	shalt  }

</sc_bundles>
